<compile_context>
chip_gen: v7x
topology: tpu7x:2x2x1
jax: 0.10.2.dev20260603
libtpu: 0.0.44.dev20260713+nightly
codegen_flags: <defaults>
</compile_context>

<pallas_src>
import functools

import jax
import jax.numpy as jnp
from jax import lax
from jax.experimental import pallas as pl
from jax.experimental.pallas import tpu as pltpu
from jax.experimental.pallas import tpu_sc as plsc

NUM_EMB = 1000000
DIM = 64
B_TOK = 16384
SEQ = 50
B = B_TOK * SEQ

NC = 2
NS = 16
NW = NC * NS
B_PER_W = B // NW
CHUNK = 128
NCHUNK = B_PER_W // CHUNK
NB = 5
NPAIR = NCHUNK // (2 * NB)
assert NCHUNK == NPAIR * 2 * NB


@functools.partial(
    pl.kernel,
    out_type=jax.ShapeDtypeStruct((B, DIM), jnp.float32),
    mesh=plsc.VectorSubcoreMesh(core_axis_name="c", subcore_axis_name="s"),
    scratch_types=[
        pltpu.VMEM((NCHUNK, CHUNK), jnp.int32),
        [pltpu.VMEM((CHUNK, DIM), jnp.float32) for _ in range(2 * NB)],
        [pltpu.SemaphoreType.DMA for _ in range(2 * NB)],
    ],
    compiler_params=pltpu.CompilerParams(use_tc_tiling_on_sc=False),
)
def _gather_kernel(idx_hbm, table_hbm, out_hbm, idx_v, bufs, sems):
    bufs_a, bufs_b = bufs[:NB], bufs[NB:]
    sem_a, sem_b = sems[:NB], sems[NB:]
    wid = lax.axis_index("s") * NC + lax.axis_index("c")
    base = wid * B_PER_W
    pltpu.sync_copy(idx_hbm.at[wid], idx_v)

    def out_slice(c):
        return out_hbm.at[pl.ds(base + c * CHUNK, CHUNK)]

    for b in range(NB):
        pltpu.async_copy(table_hbm.at[idx_v.at[b]], bufs_a[b], sem_a[b])

    def pair(p):
        g0 = p * 2 * NB
        for b in range(NB):
            c = g0 + b
            pltpu.make_async_copy(table_hbm.at[idx_v.at[c]], bufs_a[b], sem_a[b]).wait()
            pltpu.async_copy(bufs_a[b], out_slice(c), sem_a[b])
        for b in range(NB):
            c = g0 + NB + b

            @pl.when(p > 0)
            def _():
                pltpu.make_async_copy(bufs_b[b], out_slice(0), sem_b[b]).wait()

            pltpu.async_copy(table_hbm.at[idx_v.at[c]], bufs_b[b], sem_b[b])
        for b in range(NB):
            c = g0 + NB + b
            pltpu.make_async_copy(table_hbm.at[idx_v.at[c]], bufs_b[b], sem_b[b]).wait()
            pltpu.async_copy(bufs_b[b], out_slice(c), sem_b[b])
        for b in range(NB):
            pltpu.make_async_copy(bufs_a[b], out_slice(0), sem_a[b]).wait()

            @pl.when(p < NPAIR - 1)
            def _():
                pltpu.async_copy(
                    table_hbm.at[idx_v.at[g0 + 2 * NB + b]], bufs_a[b], sem_a[b]
                )

    pl.loop(0, NPAIR)(pair)

    for b in range(NB):
        pltpu.make_async_copy(bufs_b[b], out_slice(0), sem_b[b]).wait()


def kernel(token_ids, weights):
    idx = token_ids.reshape(NW, NCHUNK, CHUNK).astype(jnp.int32)
    out = _gather_kernel(idx, weights)
    return out.reshape(B_TOK, SEQ, DIM)

# --- scband reference (transcript-rebuilt; emitter-appended) ---
"""Pipeline reference for scband-lky-embedding-292057776306 (READ-ONLY COPY).

The authoritative reference and input builder live on the scoring server;
editing this copy changes nothing except your own understanding.
"""

import jax, jax.numpy as jnp
import numpy as np

NUM_EMBEDDINGS = 1000000
EMBEDDING_NUM = 64


def setup_inputs(seed: int = 0) -> dict:
    key = jax.random.key(seed)
    k1, k2 = jax.random.split(key)
    token_ids = jax.random.randint(k1, (16384, 50), 0, NUM_EMBEDDINGS, dtype=jnp.int64 if jax.config.jax_enable_x64 else jnp.int32)
    # trunc_normal_(mean=0, std=1, a=-3, b=3) approximated via truncated_normal
    weights = jax.random.truncated_normal(k2, -3.0, 3.0, (NUM_EMBEDDINGS, EMBEDDING_NUM), dtype=jnp.float32)
    return {"token_ids": token_ids, "weights": weights}


def reference(token_ids, weights):
    # LkyEmbedding.forward: self.weights[token_ids]
    return jnp.take(weights, token_ids, axis=0)

if __name__ == "__main__":
    import jax
    _d = setup_inputs()
    print(jax.jit(kernel)(*tuple(_d.values())))

</pallas_src>

<mosaic_0001>
#map = affine_map<(d0, d1) -> (0, 0, 0)>
#map1 = affine_map<(d0, d1) -> (0, 0)>
module attributes {stable_mosaic.version = 14 : i64} {
  func.func @_gather_kernel(%arg0: i32, %arg1: i32, %arg2: memref<32x200x128xi32, #tpu.memory_space<hbm>>, %arg3: memref<1000000x64xf32, #tpu.memory_space<hbm>>, %arg4: memref<819200x64xf32, #tpu.memory_space<hbm>>, %arg5: memref<200x128xi32, #tpu.memory_space<vmem>>, %arg6: memref<128x64xf32, #tpu.memory_space<vmem>>, %arg7: memref<128x64xf32, #tpu.memory_space<vmem>>, %arg8: memref<128x64xf32, #tpu.memory_space<vmem>>, %arg9: memref<128x64xf32, #tpu.memory_space<vmem>>, %arg10: memref<128x64xf32, #tpu.memory_space<vmem>>, %arg11: memref<128x64xf32, #tpu.memory_space<vmem>>, %arg12: memref<128x64xf32, #tpu.memory_space<vmem>>, %arg13: memref<128x64xf32, #tpu.memory_space<vmem>>, %arg14: memref<128x64xf32, #tpu.memory_space<vmem>>, %arg15: memref<128x64xf32, #tpu.memory_space<vmem>>, %arg16: memref<!tpu.dma_semaphore, #tpu.memory_space<semaphore_mem>>, %arg17: memref<!tpu.dma_semaphore, #tpu.memory_space<semaphore_mem>>, %arg18: memref<!tpu.dma_semaphore, #tpu.memory_space<semaphore_mem>>, %arg19: memref<!tpu.dma_semaphore, #tpu.memory_space<semaphore_mem>>, %arg20: memref<!tpu.dma_semaphore, #tpu.memory_space<semaphore_mem>>, %arg21: memref<!tpu.dma_semaphore, #tpu.memory_space<semaphore_mem>>, %arg22: memref<!tpu.dma_semaphore, #tpu.memory_space<semaphore_mem>>, %arg23: memref<!tpu.dma_semaphore, #tpu.memory_space<semaphore_mem>>, %arg24: memref<!tpu.dma_semaphore, #tpu.memory_space<semaphore_mem>>, %arg25: memref<!tpu.dma_semaphore, #tpu.memory_space<semaphore_mem>>) attributes {dimension_semantics = [#tpu.dimension_semantics<core_parallel>, #tpu.dimension_semantics<subcore_parallel>], iteration_bounds = array<i64: 2, 16>, scalar_prefetch = 0 : i64, scratch_operands = 21 : i64, tpu.core_type = #tpu.core_type<sc_vector_subcore>, window_params = [{transform_indices = #map}, {transform_indices = #map1}, {transform_indices = #map1}]} {
    %mul3A = arith.constant 2 : i32
    %mul3A_0 = arith.muli %arg1, %mul3A : i32
    %add3A = arith.addi %mul3A_0, %arg0 : i32
    %mul3A_1 = arith.constant 25600 : i32
    %mul3A_2 = arith.muli %add3A, %mul3A_1 : i32
    "tpu.region"() ({
      %run_scoped3A = tpu.sem_alloc : memref<!tpu.dma_semaphore, #tpu.memory_space<semaphore_mem>>
      %dma_start3A_70 = arith.constant 0 : i32
      %dma_start3A_71 = arith.constant 0 : i32
      %dma_start3A_72 = tpu.memref_slice %arg2[%add3A, %dma_start3A_70, %dma_start3A_71] : memref<32x200x128xi32, #tpu.memory_space<hbm>> -> memref<1x200x128xi32, #tpu.memory_space<hbm>>
      %dma_start3A_73 = tpu.memref_squeeze %dma_start3A_72 : memref<1x200x128xi32, #tpu.memory_space<hbm>> -> memref<200x128xi32, #tpu.memory_space<hbm>>
      %dma_start3A_74 = arith.constant 0 : i32
      %dma_start3A_75 = arith.constant 0 : i32
      %dma_start3A_76 = tpu.memref_slice %arg2[%add3A, %dma_start3A_74, %dma_start3A_75] : memref<32x200x128xi32, #tpu.memory_space<hbm>> -> memref<1x200x128xi32, #tpu.memory_space<hbm>>
      %dma_start3A_77 = tpu.memref_squeeze %dma_start3A_76 : memref<1x200x128xi32, #tpu.memory_space<hbm>> -> memref<200x128xi32, #tpu.memory_space<hbm>>
      tpu.enqueue_dma source(%dma_start3A_77 : memref<200x128xi32, #tpu.memory_space<hbm>>) target(%arg5 : memref<200x128xi32, #tpu.memory_space<vmem>>) target_semaphore(%run_scoped3A : memref<!tpu.dma_semaphore, #tpu.memory_space<semaphore_mem>>)
      %dma_wait3A_78 = arith.constant 0 : i32
      %dma_wait3A_79 = arith.constant 0 : i32
      %dma_wait3A_80 = tpu.memref_slice %arg2[%add3A, %dma_wait3A_78, %dma_wait3A_79] : memref<32x200x128xi32, #tpu.memory_space<hbm>> -> memref<1x200x128xi32, #tpu.memory_space<hbm>>
      %dma_wait3A_81 = tpu.memref_squeeze %dma_wait3A_80 : memref<1x200x128xi32, #tpu.memory_space<hbm>> -> memref<200x128xi32, #tpu.memory_space<hbm>>
      %dma_wait3A_82 = arith.constant 0 : i32
      %dma_wait3A_83 = arith.constant 0 : i32
      %dma_wait3A_84 = tpu.memref_slice %arg2[%add3A, %dma_wait3A_82, %dma_wait3A_83] : memref<32x200x128xi32, #tpu.memory_space<hbm>> -> memref<1x200x128xi32, #tpu.memory_space<hbm>>
      %dma_wait3A_85 = tpu.memref_squeeze %dma_wait3A_84 : memref<1x200x128xi32, #tpu.memory_space<hbm>> -> memref<200x128xi32, #tpu.memory_space<hbm>>
      tpu.wait_dma2 semaphore(%run_scoped3A : memref<!tpu.dma_semaphore, #tpu.memory_space<semaphore_mem>>) src(%dma_wait3A_85 : memref<200x128xi32, #tpu.memory_space<hbm>>) dst(%arg5 : memref<200x128xi32, #tpu.memory_space<vmem>>)
      tpu.yield
    }) : () -> ()
    %dma_start3A = arith.constant 0 : i32
    %dma_start3A_3 = arith.constant 0 : i32
    %dma_start3A_4 = tpu.memref_slice %arg5[%dma_start3A, %dma_start3A_3] : memref<200x128xi32, #tpu.memory_space<vmem>> -> memref<1x128xi32, #tpu.memory_space<vmem>>
    %dma_start3A_5 = tpu.memref_squeeze %dma_start3A_4 : memref<1x128xi32, #tpu.memory_space<vmem>> -> memref<128xi32, #tpu.memory_space<vmem>>
    %dma_start3A_6 = arith.constant 0 : i32
    %dma_start3A_7 = arith.constant 0 : i32
    %dma_start3A_8 = tpu.memref_slice %arg3[%dma_start3A_6, %dma_start3A_7] : memref<1000000x64xf32, #tpu.memory_space<hbm>> -> memref<1000000x64xf32, #tpu.memory_space<hbm>>
    tpu.enqueue_indirect_dma source(%dma_start3A_8 : memref<1000000x64xf32, #tpu.memory_space<hbm>>) target(%arg6 : memref<128x64xf32, #tpu.memory_space<vmem>>) offsets(%dma_start3A_5 : memref<128xi32, #tpu.memory_space<vmem>>) semaphore(%arg16 : memref<!tpu.dma_semaphore, #tpu.memory_space<semaphore_mem>>)
    %dma_start3A_9 = arith.constant 1 : i32
    %dma_start3A_10 = arith.constant 0 : i32
    %dma_start3A_11 = tpu.memref_slice %arg5[%dma_start3A_9, %dma_start3A_10] : memref<200x128xi32, #tpu.memory_space<vmem>> -> memref<1x128xi32, #tpu.memory_space<vmem>>
    %dma_start3A_12 = tpu.memref_squeeze %dma_start3A_11 : memref<1x128xi32, #tpu.memory_space<vmem>> -> memref<128xi32, #tpu.memory_space<vmem>>
    %dma_start3A_13 = arith.constant 0 : i32
    %dma_start3A_14 = arith.constant 0 : i32
    %dma_start3A_15 = tpu.memref_slice %arg3[%dma_start3A_13, %dma_start3A_14] : memref<1000000x64xf32, #tpu.memory_space<hbm>> -> memref<1000000x64xf32, #tpu.memory_space<hbm>>
    tpu.enqueue_indirect_dma source(%dma_start3A_15 : memref<1000000x64xf32, #tpu.memory_space<hbm>>) target(%arg7 : memref<128x64xf32, #tpu.memory_space<vmem>>) offsets(%dma_start3A_12 : memref<128xi32, #tpu.memory_space<vmem>>) semaphore(%arg17 : memref<!tpu.dma_semaphore, #tpu.memory_space<semaphore_mem>>)
    %dma_start3A_16 = arith.constant 2 : i32
    %dma_start3A_17 = arith.constant 0 : i32
    %dma_start3A_18 = tpu.memref_slice %arg5[%dma_start3A_16, %dma_start3A_17] : memref<200x128xi32, #tpu.memory_space<vmem>> -> memref<1x128xi32, #tpu.memory_space<vmem>>
    %dma_start3A_19 = tpu.memref_squeeze %dma_start3A_18 : memref<1x128xi32, #tpu.memory_space<vmem>> -> memref<128xi32, #tpu.memory_space<vmem>>
    %dma_start3A_20 = arith.constant 0 : i32
    %dma_start3A_21 = arith.constant 0 : i32
    %dma_start3A_22 = tpu.memref_slice %arg3[%dma_start3A_20, %dma_start3A_21] : memref<1000000x64xf32, #tpu.memory_space<hbm>> -> memref<1000000x64xf32, #tpu.memory_space<hbm>>
    tpu.enqueue_indirect_dma source(%dma_start3A_22 : memref<1000000x64xf32, #tpu.memory_space<hbm>>) target(%arg8 : memref<128x64xf32, #tpu.memory_space<vmem>>) offsets(%dma_start3A_19 : memref<128xi32, #tpu.memory_space<vmem>>) semaphore(%arg18 : memref<!tpu.dma_semaphore, #tpu.memory_space<semaphore_mem>>)
    %dma_start3A_23 = arith.constant 3 : i32
    %dma_start3A_24 = arith.constant 0 : i32
    %dma_start3A_25 = tpu.memref_slice %arg5[%dma_start3A_23, %dma_start3A_24] : memref<200x128xi32, #tpu.memory_space<vmem>> -> memref<1x128xi32, #tpu.memory_space<vmem>>
    %dma_start3A_26 = tpu.memref_squeeze %dma_start3A_25 : memref<1x128xi32, #tpu.memory_space<vmem>> -> memref<128xi32, #tpu.memory_space<vmem>>
    %dma_start3A_27 = arith.constant 0 : i32
    %dma_start3A_28 = arith.constant 0 : i32
    %dma_start3A_29 = tpu.memref_slice %arg3[%dma_start3A_27, %dma_start3A_28] : memref<1000000x64xf32, #tpu.memory_space<hbm>> -> memref<1000000x64xf32, #tpu.memory_space<hbm>>
    tpu.enqueue_indirect_dma source(%dma_start3A_29 : memref<1000000x64xf32, #tpu.memory_space<hbm>>) target(%arg9 : memref<128x64xf32, #tpu.memory_space<vmem>>) offsets(%dma_start3A_26 : memref<128xi32, #tpu.memory_space<vmem>>) semaphore(%arg19 : memref<!tpu.dma_semaphore, #tpu.memory_space<semaphore_mem>>)
    %dma_start3A_30 = arith.constant 4 : i32
    %dma_start3A_31 = arith.constant 0 : i32
    %dma_start3A_32 = tpu.memref_slice %arg5[%dma_start3A_30, %dma_start3A_31] : memref<200x128xi32, #tpu.memory_space<vmem>> -> memref<1x128xi32, #tpu.memory_space<vmem>>
    %dma_start3A_33 = tpu.memref_squeeze %dma_start3A_32 : memref<1x128xi32, #tpu.memory_space<vmem>> -> memref<128xi32, #tpu.memory_space<vmem>>
    %dma_start3A_34 = arith.constant 0 : i32
    %dma_start3A_35 = arith.constant 0 : i32
    %dma_start3A_36 = tpu.memref_slice %arg3[%dma_start3A_34, %dma_start3A_35] : memref<1000000x64xf32, #tpu.memory_space<hbm>> -> memref<1000000x64xf32, #tpu.memory_space<hbm>>
    tpu.enqueue_indirect_dma source(%dma_start3A_36 : memref<1000000x64xf32, #tpu.memory_space<hbm>>) target(%arg10 : memref<128x64xf32, #tpu.memory_space<vmem>>) offsets(%dma_start3A_33 : memref<128xi32, #tpu.memory_space<vmem>>) semaphore(%arg20 : memref<!tpu.dma_semaphore, #tpu.memory_space<semaphore_mem>>)
    %scan3A = arith.constant 0 : i32
    %scan3A_37 = arith.constant 20 : i32
    %scan3A_38 = arith.addi %scan3A, %scan3A_37 : i32
    %scan3A_39 = arith.constant 1 : i32
    scf.for %scan3A_70 = %scan3A to %scan3A_38 step %scan3A_39  : i32 {
      %mul3A_71 = arith.constant 1 : i32
      %mul3A_72 = arith.muli %scan3A_70, %mul3A_71 : i32
      %add3A_73 = arith.constant 0 : i32
      %add3A_74 = arith.addi %add3A_73, %mul3A_72 : i32
      %mul3A_75 = arith.constant 2 : i32
      %mul3A_76 = arith.muli %add3A_74, %mul3A_75 : i32
      %mul3A_77 = arith.constant 5 : i32
      %mul3A_78 = arith.muli %mul3A_76, %mul3A_77 : i32
      %add3A_79 = arith.constant 0 : i32
      %add3A_80 = arith.addi %mul3A_78, %add3A_79 : i32
      %dma_wait3A_81 = arith.constant 0 : i32
      %dma_wait3A_82 = tpu.memref_slice %arg5[%add3A_80, %dma_wait3A_81] : memref<200x128xi32, #tpu.memory_space<vmem>> -> memref<1x128xi32, #tpu.memory_space<vmem>>
      %dma_wait3A_83 = tpu.memref_squeeze %dma_wait3A_82 : memref<1x128xi32, #tpu.memory_space<vmem>> -> memref<128xi32, #tpu.memory_space<vmem>>
      %dma_wait3A_84 = arith.constant 0 : i32
      %dma_wait3A_85 = arith.constant 0 : i32
      %dma_wait3A_86 = tpu.memref_slice %arg3[%dma_wait3A_84, %dma_wait3A_85] : memref<1000000x64xf32, #tpu.memory_space<hbm>> -> memref<1000000x64xf32, #tpu.memory_space<hbm>>
      tpu.wait_indirect_dma semaphore(%arg16 : memref<!tpu.dma_semaphore, #tpu.memory_space<semaphore_mem>>) src(%dma_wait3A_86 : memref<1000000x64xf32, #tpu.memory_space<hbm>>) dst(%arg6 : memref<128x64xf32, #tpu.memory_space<vmem>>)
      %mul3A_87 = arith.constant 128 : i32
      %mul3A_88 = arith.muli %add3A_80, %mul3A_87 : i32
      %add3A_89 = arith.addi %mul3A_2, %mul3A_88 : i32
      %dma_start3A_90 = arith.constant 0 : i32
      %dma_start3A_91 = tpu.memref_slice %arg4[%add3A_89, %dma_start3A_90] : memref<819200x64xf32, #tpu.memory_space<hbm>> -> memref<128x64xf32, #tpu.memory_space<hbm>>
      %dma_start3A_92 = arith.constant 0 : i32
      %dma_start3A_93 = tpu.memref_slice %arg4[%add3A_89, %dma_start3A_92] : memref<819200x64xf32, #tpu.memory_space<hbm>> -> memref<128x64xf32, #tpu.memory_space<hbm>>
      tpu.enqueue_dma source(%arg6 : memref<128x64xf32, #tpu.memory_space<vmem>>) target(%dma_start3A_93 : memref<128x64xf32, #tpu.memory_space<hbm>>) target_semaphore(%arg16 : memref<!tpu.dma_semaphore, #tpu.memory_space<semaphore_mem>>)
      %add3A_94 = arith.constant 1 : i32
      %add3A_95 = arith.addi %mul3A_78, %add3A_94 : i32
      %dma_wait3A_96 = arith.constant 0 : i32
      %dma_wait3A_97 = tpu.memref_slice %arg5[%add3A_95, %dma_wait3A_96] : memref<200x128xi32, #tpu.memory_space<vmem>> -> memref<1x128xi32, #tpu.memory_space<vmem>>
      %dma_wait3A_98 = tpu.memref_squeeze %dma_wait3A_97 : memref<1x128xi32, #tpu.memory_space<vmem>> -> memref<128xi32, #tpu.memory_space<vmem>>
      %dma_wait3A_99 = arith.constant 0 : i32
      %dma_wait3A_100 = arith.constant 0 : i32
      %dma_wait3A_101 = tpu.memref_slice %arg3[%dma_wait3A_99, %dma_wait3A_100] : memref<1000000x64xf32, #tpu.memory_space<hbm>> -> memref<1000000x64xf32, #tpu.memory_space<hbm>>
      tpu.wait_indirect_dma semaphore(%arg17 : memref<!tpu.dma_semaphore, #tpu.memory_space<semaphore_mem>>) src(%dma_wait3A_101 : memref<1000000x64xf32, #tpu.memory_space<hbm>>) dst(%arg7 : memref<128x64xf32, #tpu.memory_space<vmem>>)
      %mul3A_102 = arith.constant 128 : i32
      %mul3A_103 = arith.muli %add3A_95, %mul3A_102 : i32
      %add3A_104 = arith.addi %mul3A_2, %mul3A_103 : i32
      %dma_start3A_105 = arith.constant 0 : i32
      %dma_start3A_106 = tpu.memref_slice %arg4[%add3A_104, %dma_start3A_105] : memref<819200x64xf32, #tpu.memory_space<hbm>> -> memref<128x64xf32, #tpu.memory_space<hbm>>
      %dma_start3A_107 = arith.constant 0 : i32
      %dma_start3A_108 = tpu.memref_slice %arg4[%add3A_104, %dma_start3A_107] : memref<819200x64xf32, #tpu.memory_space<hbm>> -> memref<128x64xf32, #tpu.memory_space<hbm>>
      tpu.enqueue_dma source(%arg7 : memref<128x64xf32, #tpu.memory_space<vmem>>) target(%dma_start3A_108 : memref<128x64xf32, #tpu.memory_space<hbm>>) target_semaphore(%arg17 : memref<!tpu.dma_semaphore, #tpu.memory_space<semaphore_mem>>)
      %add3A_109 = arith.constant 2 : i32
      %add3A_110 = arith.addi %mul3A_78, %add3A_109 : i32
      %dma_wait3A_111 = arith.constant 0 : i32
      %dma_wait3A_112 = tpu.memref_slice %arg5[%add3A_110, %dma_wait3A_111] : memref<200x128xi32, #tpu.memory_space<vmem>> -> memref<1x128xi32, #tpu.memory_space<vmem>>
      %dma_wait3A_113 = tpu.memref_squeeze %dma_wait3A_112 : memref<1x128xi32, #tpu.memory_space<vmem>> -> memref<128xi32, #tpu.memory_space<vmem>>
      %dma_wait3A_114 = arith.constant 0 : i32
      %dma_wait3A_115 = arith.constant 0 : i32
      %dma_wait3A_116 = tpu.memref_slice %arg3[%dma_wait3A_114, %dma_wait3A_115] : memref<1000000x64xf32, #tpu.memory_space<hbm>> -> memref<1000000x64xf32, #tpu.memory_space<hbm>>
      tpu.wait_indirect_dma semaphore(%arg18 : memref<!tpu.dma_semaphore, #tpu.memory_space<semaphore_mem>>) src(%dma_wait3A_116 : memref<1000000x64xf32, #tpu.memory_space<hbm>>) dst(%arg8 : memref<128x64xf32, #tpu.memory_space<vmem>>)
      %mul3A_117 = arith.constant 128 : i32
      %mul3A_118 = arith.muli %add3A_110, %mul3A_117 : i32
      %add3A_119 = arith.addi %mul3A_2, %mul3A_118 : i32
      %dma_start3A_120 = arith.constant 0 : i32
      %dma_start3A_121 = tpu.memref_slice %arg4[%add3A_119, %dma_start3A_120] : memref<819200x64xf32, #tpu.memory_space<hbm>> -> memref<128x64xf32, #tpu.memory_space<hbm>>
      %dma_start3A_122 = arith.constant 0 : i32
      %dma_start3A_123 = tpu.memref_slice %arg4[%add3A_119, %dma_start3A_122] : memref<819200x64xf32, #tpu.memory_space<hbm>> -> memref<128x64xf32, #tpu.memory_space<hbm>>
      tpu.enqueue_dma source(%arg8 : memref<128x64xf32, #tpu.memory_space<vmem>>) target(%dma_start3A_123 : memref<128x64xf32, #tpu.memory_space<hbm>>) target_semaphore(%arg18 : memref<!tpu.dma_semaphore, #tpu.memory_space<semaphore_mem>>)
      %add3A_124 = arith.constant 3 : i32
      %add3A_125 = arith.addi %mul3A_78, %add3A_124 : i32
      %dma_wait3A_126 = arith.constant 0 : i32
      %dma_wait3A_127 = tpu.memref_slice %arg5[%add3A_125, %dma_wait3A_126] : memref<200x128xi32, #tpu.memory_space<vmem>> -> memref<1x128xi32, #tpu.memory_space<vmem>>
      %dma_wait3A_128 = tpu.memref_squeeze %dma_wait3A_127 : memref<1x128xi32, #tpu.memory_space<vmem>> -> memref<128xi32, #tpu.memory_space<vmem>>
      %dma_wait3A_129 = arith.constant 0 : i32
      %dma_wait3A_130 = arith.constant 0 : i32
      %dma_wait3A_131 = tpu.memref_slice %arg3[%dma_wait3A_129, %dma_wait3A_130] : memref<1000000x64xf32, #tpu.memory_space<hbm>> -> memref<1000000x64xf32, #tpu.memory_space<hbm>>
      tpu.wait_indirect_dma semaphore(%arg19 : memref<!tpu.dma_semaphore, #tpu.memory_space<semaphore_mem>>) src(%dma_wait3A_131 : memref<1000000x64xf32, #tpu.memory_space<hbm>>) dst(%arg9 : memref<128x64xf32, #tpu.memory_space<vmem>>)
      %mul3A_132 = arith.constant 128 : i32
      %mul3A_133 = arith.muli %add3A_125, %mul3A_132 : i32
      %add3A_134 = arith.addi %mul3A_2, %mul3A_133 : i32
      %dma_start3A_135 = arith.constant 0 : i32
      %dma_start3A_136 = tpu.memref_slice %arg4[%add3A_134, %dma_start3A_135] : memref<819200x64xf32, #tpu.memory_space<hbm>> -> memref<128x64xf32, #tpu.memory_space<hbm>>
      %dma_start3A_137 = arith.constant 0 : i32
      %dma_start3A_138 = tpu.memref_slice %arg4[%add3A_134, %dma_start3A_137] : memref<819200x64xf32, #tpu.memory_space<hbm>> -> memref<128x64xf32, #tpu.memory_space<hbm>>
      tpu.enqueue_dma source(%arg9 : memref<128x64xf32, #tpu.memory_space<vmem>>) target(%dma_start3A_138 : memref<128x64xf32, #tpu.memory_space<hbm>>) target_semaphore(%arg19 : memref<!tpu.dma_semaphore, #tpu.memory_space<semaphore_mem>>)
      %add3A_139 = arith.constant 4 : i32
      %add3A_140 = arith.addi %mul3A_78, %add3A_139 : i32
      %dma_wait3A_141 = arith.constant 0 : i32
      %dma_wait3A_142 = tpu.memref_slice %arg5[%add3A_140, %dma_wait3A_141] : memref<200x128xi32, #tpu.memory_space<vmem>> -> memref<1x128xi32, #tpu.memory_space<vmem>>
      %dma_wait3A_143 = tpu.memref_squeeze %dma_wait3A_142 : memref<1x128xi32, #tpu.memory_space<vmem>> -> memref<128xi32, #tpu.memory_space<vmem>>
      %dma_wait3A_144 = arith.constant 0 : i32
      %dma_wait3A_145 = arith.constant 0 : i32
      %dma_wait3A_146 = tpu.memref_slice %arg3[%dma_wait3A_144, %dma_wait3A_145] : memref<1000000x64xf32, #tpu.memory_space<hbm>> -> memref<1000000x64xf32, #tpu.memory_space<hbm>>
      tpu.wait_indirect_dma semaphore(%arg20 : memref<!tpu.dma_semaphore, #tpu.memory_space<semaphore_mem>>) src(%dma_wait3A_146 : memref<1000000x64xf32, #tpu.memory_space<hbm>>) dst(%arg10 : memref<128x64xf32, #tpu.memory_space<vmem>>)
      %mul3A_147 = arith.constant 128 : i32
      %mul3A_148 = arith.muli %add3A_140, %mul3A_147 : i32
      %add3A_149 = arith.addi %mul3A_2, %mul3A_148 : i32
      %dma_start3A_150 = arith.constant 0 : i32
      %dma_start3A_151 = tpu.memref_slice %arg4[%add3A_149, %dma_start3A_150] : memref<819200x64xf32, #tpu.memory_space<hbm>> -> memref<128x64xf32, #tpu.memory_space<hbm>>
      %dma_start3A_152 = arith.constant 0 : i32
      %dma_start3A_153 = tpu.memref_slice %arg4[%add3A_149, %dma_start3A_152] : memref<819200x64xf32, #tpu.memory_space<hbm>> -> memref<128x64xf32, #tpu.memory_space<hbm>>
      tpu.enqueue_dma source(%arg10 : memref<128x64xf32, #tpu.memory_space<vmem>>) target(%dma_start3A_153 : memref<128x64xf32, #tpu.memory_space<hbm>>) target_semaphore(%arg20 : memref<!tpu.dma_semaphore, #tpu.memory_space<semaphore_mem>>)
      %add3A_154 = arith.constant 5 : i32
      %add3A_155 = arith.addi %mul3A_78, %add3A_154 : i32
      %add3A_156 = arith.constant 0 : i32
      %add3A_157 = arith.addi %add3A_155, %add3A_156 : i32
      %gt3A = arith.constant 0 : i32
      %gt3A_158 = arith.cmpi sgt, %add3A_74, %gt3A : i32
      %convert_element_type3A = arith.extui %gt3A_158 : i1 to i32
      %cond3A = arith.constant 0 : i32
      %cond3A_159 = arith.cmpi ne, %convert_element_type3A, %cond3A : i32
      scf.if %cond3A_159 {
        %add3A_365 = arith.constant 0 : i32
        %add3A_366 = arith.addi %mul3A_2, %add3A_365 : i32
        %dma_wait3A_367 = arith.constant 0 : i32
        %dma_wait3A_368 = tpu.memref_slice %arg4[%add3A_366, %dma_wait3A_367] : memref<819200x64xf32, #tpu.memory_space<hbm>> -> memref<128x64xf32, #tpu.memory_space<hbm>>
        %dma_wait3A_369 = arith.constant 0 : i32
        %dma_wait3A_370 = tpu.memref_slice %arg4[%add3A_366, %dma_wait3A_369] : memref<819200x64xf32, #tpu.memory_space<hbm>> -> memref<128x64xf32, #tpu.memory_space<hbm>>
        tpu.wait_dma2 semaphore(%arg21 : memref<!tpu.dma_semaphore, #tpu.memory_space<semaphore_mem>>) src(%arg11 : memref<128x64xf32, #tpu.memory_space<vmem>>) dst(%dma_wait3A_370 : memref<128x64xf32, #tpu.memory_space<hbm>>)
      } else {
      }
      %dma_start3A_160 = arith.constant 0 : i32
      %dma_start3A_161 = tpu.memref_slice %arg5[%add3A_157, %dma_start3A_160] : memref<200x128xi32, #tpu.memory_space<vmem>> -> memref<1x128xi32, #tpu.memory_space<vmem>>
      %dma_start3A_162 = tpu.memref_squeeze %dma_start3A_161 : memref<1x128xi32, #tpu.memory_space<vmem>> -> memref<128xi32, #tpu.memory_space<vmem>>
      %dma_start3A_163 = arith.constant 0 : i32
      %dma_start3A_164 = arith.constant 0 : i32
      %dma_start3A_165 = tpu.memref_slice %arg3[%dma_start3A_163, %dma_start3A_164] : memref<1000000x64xf32, #tpu.memory_space<hbm>> -> memref<1000000x64xf32, #tpu.memory_space<hbm>>
      tpu.enqueue_indirect_dma source(%dma_start3A_165 : memref<1000000x64xf32, #tpu.memory_space<hbm>>) target(%arg11 : memref<128x64xf32, #tpu.memory_space<vmem>>) offsets(%dma_start3A_162 : memref<128xi32, #tpu.memory_space<vmem>>) semaphore(%arg21 : memref<!tpu.dma_semaphore, #tpu.memory_space<semaphore_mem>>)
      %add3A_166 = arith.constant 5 : i32
      %add3A_167 = arith.addi %mul3A_78, %add3A_166 : i32
      %add3A_168 = arith.constant 1 : i32
      %add3A_169 = arith.addi %add3A_167, %add3A_168 : i32
      %gt3A_170 = arith.constant 0 : i32
      %gt3A_171 = arith.cmpi sgt, %add3A_74, %gt3A_170 : i32
      %convert_element_type3A_172 = arith.extui %gt3A_171 : i1 to i32
      %cond3A_173 = arith.constant 0 : i32
      %cond3A_174 = arith.cmpi ne, %convert_element_type3A_172, %cond3A_173 : i32
      scf.if %cond3A_174 {
        %add3A_365 = arith.constant 0 : i32
        %add3A_366 = arith.addi %mul3A_2, %add3A_365 : i32
        %dma_wait3A_367 = arith.constant 0 : i32
        %dma_wait3A_368 = tpu.memref_slice %arg4[%add3A_366, %dma_wait3A_367] : memref<819200x64xf32, #tpu.memory_space<hbm>> -> memref<128x64xf32, #tpu.memory_space<hbm>>
        %dma_wait3A_369 = arith.constant 0 : i32
        %dma_wait3A_370 = tpu.memref_slice %arg4[%add3A_366, %dma_wait3A_369] : memref<819200x64xf32, #tpu.memory_space<hbm>> -> memref<128x64xf32, #tpu.memory_space<hbm>>
        tpu.wait_dma2 semaphore(%arg22 : memref<!tpu.dma_semaphore, #tpu.memory_space<semaphore_mem>>) src(%arg12 : memref<128x64xf32, #tpu.memory_space<vmem>>) dst(%dma_wait3A_370 : memref<128x64xf32, #tpu.memory_space<hbm>>)
      } else {
      }
      %dma_start3A_175 = arith.constant 0 : i32
      %dma_start3A_176 = tpu.memref_slice %arg5[%add3A_169, %dma_start3A_175] : memref<200x128xi32, #tpu.memory_space<vmem>> -> memref<1x128xi32, #tpu.memory_space<vmem>>
      %dma_start3A_177 = tpu.memref_squeeze %dma_start3A_176 : memref<1x128xi32, #tpu.memory_space<vmem>> -> memref<128xi32, #tpu.memory_space<vmem>>
      %dma_start3A_178 = arith.constant 0 : i32
      %dma_start3A_179 = arith.constant 0 : i32
      %dma_start3A_180 = tpu.memref_slice %arg3[%dma_start3A_178, %dma_start3A_179] : memref<1000000x64xf32, #tpu.memory_space<hbm>> -> memref<1000000x64xf32, #tpu.memory_space<hbm>>
      tpu.enqueue_indirect_dma source(%dma_start3A_180 : memref<1000000x64xf32, #tpu.memory_space<hbm>>) target(%arg12 : memref<128x64xf32, #tpu.memory_space<vmem>>) offsets(%dma_start3A_177 : memref<128xi32, #tpu.memory_space<vmem>>) semaphore(%arg22 : memref<!tpu.dma_semaphore, #tpu.memory_space<semaphore_mem>>)
      %add3A_181 = arith.constant 5 : i32
      %add3A_182 = arith.addi %mul3A_78, %add3A_181 : i32
      %add3A_183 = arith.constant 2 : i32
      %add3A_184 = arith.addi %add3A_182, %add3A_183 : i32
      %gt3A_185 = arith.constant 0 : i32
      %gt3A_186 = arith.cmpi sgt, %add3A_74, %gt3A_185 : i32
      %convert_element_type3A_187 = arith.extui %gt3A_186 : i1 to i32
      %cond3A_188 = arith.constant 0 : i32
      %cond3A_189 = arith.cmpi ne, %convert_element_type3A_187, %cond3A_188 : i32
      scf.if %cond3A_189 {
        %add3A_365 = arith.constant 0 : i32
        %add3A_366 = arith.addi %mul3A_2, %add3A_365 : i32
        %dma_wait3A_367 = arith.constant 0 : i32
        %dma_wait3A_368 = tpu.memref_slice %arg4[%add3A_366, %dma_wait3A_367] : memref<819200x64xf32, #tpu.memory_space<hbm>> -> memref<128x64xf32, #tpu.memory_space<hbm>>
        %dma_wait3A_369 = arith.constant 0 : i32
        %dma_wait3A_370 = tpu.memref_slice %arg4[%add3A_366, %dma_wait3A_369] : memref<819200x64xf32, #tpu.memory_space<hbm>> -> memref<128x64xf32, #tpu.memory_space<hbm>>
        tpu.wait_dma2 semaphore(%arg23 : memref<!tpu.dma_semaphore, #tpu.memory_space<semaphore_mem>>) src(%arg13 : memref<128x64xf32, #tpu.memory_space<vmem>>) dst(%dma_wait3A_370 : memref<128x64xf32, #tpu.memory_space<hbm>>)
      } else {
      }
      %dma_start3A_190 = arith.constant 0 : i32
      %dma_start3A_191 = tpu.memref_slice %arg5[%add3A_184, %dma_start3A_190] : memref<200x128xi32, #tpu.memory_space<vmem>> -> memref<1x128xi32, #tpu.memory_space<vmem>>
      %dma_start3A_192 = tpu.memref_squeeze %dma_start3A_191 : memref<1x128xi32, #tpu.memory_space<vmem>> -> memref<128xi32, #tpu.memory_space<vmem>>
      %dma_start3A_193 = arith.constant 0 : i32
      %dma_start3A_194 = arith.constant 0 : i32
      %dma_start3A_195 = tpu.memref_slice %arg3[%dma_start3A_193, %dma_start3A_194] : memref<1000000x64xf32, #tpu.memory_space<hbm>> -> memref<1000000x64xf32, #tpu.memory_space<hbm>>
      tpu.enqueue_indirect_dma source(%dma_start3A_195 : memref<1000000x64xf32, #tpu.memory_space<hbm>>) target(%arg13 : memref<128x64xf32, #tpu.memory_space<vmem>>) offsets(%dma_start3A_192 : memref<128xi32, #tpu.memory_space<vmem>>) semaphore(%arg23 : memref<!tpu.dma_semaphore, #tpu.memory_space<semaphore_mem>>)
      %add3A_196 = arith.constant 5 : i32
      %add3A_197 = arith.addi %mul3A_78, %add3A_196 : i32
      %add3A_198 = arith.constant 3 : i32
      %add3A_199 = arith.addi %add3A_197, %add3A_198 : i32
      %gt3A_200 = arith.constant 0 : i32
      %gt3A_201 = arith.cmpi sgt, %add3A_74, %gt3A_200 : i32
      %convert_element_type3A_202 = arith.extui %gt3A_201 : i1 to i32
      %cond3A_203 = arith.constant 0 : i32
      %cond3A_204 = arith.cmpi ne, %convert_element_type3A_202, %cond3A_203 : i32
      scf.if %cond3A_204 {
        %add3A_365 = arith.constant 0 : i32
        %add3A_366 = arith.addi %mul3A_2, %add3A_365 : i32
        %dma_wait3A_367 = arith.constant 0 : i32
        %dma_wait3A_368 = tpu.memref_slice %arg4[%add3A_366, %dma_wait3A_367] : memref<819200x64xf32, #tpu.memory_space<hbm>> -> memref<128x64xf32, #tpu.memory_space<hbm>>
        %dma_wait3A_369 = arith.constant 0 : i32
        %dma_wait3A_370 = tpu.memref_slice %arg4[%add3A_366, %dma_wait3A_369] : memref<819200x64xf32, #tpu.memory_space<hbm>> -> memref<128x64xf32, #tpu.memory_space<hbm>>
        tpu.wait_dma2 semaphore(%arg24 : memref<!tpu.dma_semaphore, #tpu.memory_space<semaphore_mem>>) src(%arg14 : memref<128x64xf32, #tpu.memory_space<vmem>>) dst(%dma_wait3A_370 : memref<128x64xf32, #tpu.memory_space<hbm>>)
      } else {
      }
      %dma_start3A_205 = arith.constant 0 : i32
      %dma_start3A_206 = tpu.memref_slice %arg5[%add3A_199, %dma_start3A_205] : memref<200x128xi32, #tpu.memory_space<vmem>> -> memref<1x128xi32, #tpu.memory_space<vmem>>
      %dma_start3A_207 = tpu.memref_squeeze %dma_start3A_206 : memref<1x128xi32, #tpu.memory_space<vmem>> -> memref<128xi32, #tpu.memory_space<vmem>>
      %dma_start3A_208 = arith.constant 0 : i32
      %dma_start3A_209 = arith.constant 0 : i32
      %dma_start3A_210 = tpu.memref_slice %arg3[%dma_start3A_208, %dma_start3A_209] : memref<1000000x64xf32, #tpu.memory_space<hbm>> -> memref<1000000x64xf32, #tpu.memory_space<hbm>>
      tpu.enqueue_indirect_dma source(%dma_start3A_210 : memref<1000000x64xf32, #tpu.memory_space<hbm>>) target(%arg14 : memref<128x64xf32, #tpu.memory_space<vmem>>) offsets(%dma_start3A_207 : memref<128xi32, #tpu.memory_space<vmem>>) semaphore(%arg24 : memref<!tpu.dma_semaphore, #tpu.memory_space<semaphore_mem>>)
      %add3A_211 = arith.constant 5 : i32
      %add3A_212 = arith.addi %mul3A_78, %add3A_211 : i32
      %add3A_213 = arith.constant 4 : i32
      %add3A_214 = arith.addi %add3A_212, %add3A_213 : i32
      %gt3A_215 = arith.constant 0 : i32
      %gt3A_216 = arith.cmpi sgt, %add3A_74, %gt3A_215 : i32
      %convert_element_type3A_217 = arith.extui %gt3A_216 : i1 to i32
      %cond3A_218 = arith.constant 0 : i32
      %cond3A_219 = arith.cmpi ne, %convert_element_type3A_217, %cond3A_218 : i32
      scf.if %cond3A_219 {
        %add3A_365 = arith.constant 0 : i32
        %add3A_366 = arith.addi %mul3A_2, %add3A_365 : i32
        %dma_wait3A_367 = arith.constant 0 : i32
        %dma_wait3A_368 = tpu.memref_slice %arg4[%add3A_366, %dma_wait3A_367] : memref<819200x64xf32, #tpu.memory_space<hbm>> -> memref<128x64xf32, #tpu.memory_space<hbm>>
        %dma_wait3A_369 = arith.constant 0 : i32
        %dma_wait3A_370 = tpu.memref_slice %arg4[%add3A_366, %dma_wait3A_369] : memref<819200x64xf32, #tpu.memory_space<hbm>> -> memref<128x64xf32, #tpu.memory_space<hbm>>
        tpu.wait_dma2 semaphore(%arg25 : memref<!tpu.dma_semaphore, #tpu.memory_space<semaphore_mem>>) src(%arg15 : memref<128x64xf32, #tpu.memory_space<vmem>>) dst(%dma_wait3A_370 : memref<128x64xf32, #tpu.memory_space<hbm>>)
      } else {
      }
      %dma_start3A_220 = arith.constant 0 : i32
      %dma_start3A_221 = tpu.memref_slice %arg5[%add3A_214, %dma_start3A_220] : memref<200x128xi32, #tpu.memory_space<vmem>> -> memref<1x128xi32, #tpu.memory_space<vmem>>
      %dma_start3A_222 = tpu.memref_squeeze %dma_start3A_221 : memref<1x128xi32, #tpu.memory_space<vmem>> -> memref<128xi32, #tpu.memory_space<vmem>>
      %dma_start3A_223 = arith.constant 0 : i32
      %dma_start3A_224 = arith.constant 0 : i32
      %dma_start3A_225 = tpu.memref_slice %arg3[%dma_start3A_223, %dma_start3A_224] : memref<1000000x64xf32, #tpu.memory_space<hbm>> -> memref<1000000x64xf32, #tpu.memory_space<hbm>>
      tpu.enqueue_indirect_dma source(%dma_start3A_225 : memref<1000000x64xf32, #tpu.memory_space<hbm>>) target(%arg15 : memref<128x64xf32, #tpu.memory_space<vmem>>) offsets(%dma_start3A_222 : memref<128xi32, #tpu.memory_space<vmem>>) semaphore(%arg25 : memref<!tpu.dma_semaphore, #tpu.memory_space<semaphore_mem>>)
      %add3A_226 = arith.constant 5 : i32
      %add3A_227 = arith.addi %mul3A_78, %add3A_226 : i32
      %add3A_228 = arith.constant 0 : i32
      %add3A_229 = arith.addi %add3A_227, %add3A_228 : i32
      %dma_wait3A_230 = arith.constant 0 : i32
      %dma_wait3A_231 = tpu.memref_slice %arg5[%add3A_229, %dma_wait3A_230] : memref<200x128xi32, #tpu.memory_space<vmem>> -> memref<1x128xi32, #tpu.memory_space<vmem>>
      %dma_wait3A_232 = tpu.memref_squeeze %dma_wait3A_231 : memref<1x128xi32, #tpu.memory_space<vmem>> -> memref<128xi32, #tpu.memory_space<vmem>>
      %dma_wait3A_233 = arith.constant 0 : i32
      %dma_wait3A_234 = arith.constant 0 : i32
      %dma_wait3A_235 = tpu.memref_slice %arg3[%dma_wait3A_233, %dma_wait3A_234] : memref<1000000x64xf32, #tpu.memory_space<hbm>> -> memref<1000000x64xf32, #tpu.memory_space<hbm>>
      tpu.wait_indirect_dma semaphore(%arg21 : memref<!tpu.dma_semaphore, #tpu.memory_space<semaphore_mem>>) src(%dma_wait3A_235 : memref<1000000x64xf32, #tpu.memory_space<hbm>>) dst(%arg11 : memref<128x64xf32, #tpu.memory_space<vmem>>)
      %mul3A_236 = arith.constant 128 : i32
      %mul3A_237 = arith.muli %add3A_229, %mul3A_236 : i32
      %add3A_238 = arith.addi %mul3A_2, %mul3A_237 : i32
      %dma_start3A_239 = arith.constant 0 : i32
      %dma_start3A_240 = tpu.memref_slice %arg4[%add3A_238, %dma_start3A_239] : memref<819200x64xf32, #tpu.memory_space<hbm>> -> memref<128x64xf32, #tpu.memory_space<hbm>>
      %dma_start3A_241 = arith.constant 0 : i32
      %dma_start3A_242 = tpu.memref_slice %arg4[%add3A_238, %dma_start3A_241] : memref<819200x64xf32, #tpu.memory_space<hbm>> -> memref<128x64xf32, #tpu.memory_space<hbm>>
      tpu.enqueue_dma source(%arg11 : memref<128x64xf32, #tpu.memory_space<vmem>>) target(%dma_start3A_242 : memref<128x64xf32, #tpu.memory_space<hbm>>) target_semaphore(%arg21 : memref<!tpu.dma_semaphore, #tpu.memory_space<semaphore_mem>>)
      %add3A_243 = arith.constant 5 : i32
      %add3A_244 = arith.addi %mul3A_78, %add3A_243 : i32
      %add3A_245 = arith.constant 1 : i32
      %add3A_246 = arith.addi %add3A_244, %add3A_245 : i32
      %dma_wait3A_247 = arith.constant 0 : i32
      %dma_wait3A_248 = tpu.memref_slice %arg5[%add3A_246, %dma_wait3A_247] : memref<200x128xi32, #tpu.memory_space<vmem>> -> memref<1x128xi32, #tpu.memory_space<vmem>>
      %dma_wait3A_249 = tpu.memref_squeeze %dma_wait3A_248 : memref<1x128xi32, #tpu.memory_space<vmem>> -> memref<128xi32, #tpu.memory_space<vmem>>
      %dma_wait3A_250 = arith.constant 0 : i32
      %dma_wait3A_251 = arith.constant 0 : i32
      %dma_wait3A_252 = tpu.memref_slice %arg3[%dma_wait3A_250, %dma_wait3A_251] : memref<1000000x64xf32, #tpu.memory_space<hbm>> -> memref<1000000x64xf32, #tpu.memory_space<hbm>>
      tpu.wait_indirect_dma semaphore(%arg22 : memref<!tpu.dma_semaphore, #tpu.memory_space<semaphore_mem>>) src(%dma_wait3A_252 : memref<1000000x64xf32, #tpu.memory_space<hbm>>) dst(%arg12 : memref<128x64xf32, #tpu.memory_space<vmem>>)
      %mul3A_253 = arith.constant 128 : i32
      %mul3A_254 = arith.muli %add3A_246, %mul3A_253 : i32
      %add3A_255 = arith.addi %mul3A_2, %mul3A_254 : i32
      %dma_start3A_256 = arith.constant 0 : i32
      %dma_start3A_257 = tpu.memref_slice %arg4[%add3A_255, %dma_start3A_256] : memref<819200x64xf32, #tpu.memory_space<hbm>> -> memref<128x64xf32, #tpu.memory_space<hbm>>
      %dma_start3A_258 = arith.constant 0 : i32
      %dma_start3A_259 = tpu.memref_slice %arg4[%add3A_255, %dma_start3A_258] : memref<819200x64xf32, #tpu.memory_space<hbm>> -> memref<128x64xf32, #tpu.memory_space<hbm>>
      tpu.enqueue_dma source(%arg12 : memref<128x64xf32, #tpu.memory_space<vmem>>) target(%dma_start3A_259 : memref<128x64xf32, #tpu.memory_space<hbm>>) target_semaphore(%arg22 : memref<!tpu.dma_semaphore, #tpu.memory_space<semaphore_mem>>)
      %add3A_260 = arith.constant 5 : i32
      %add3A_261 = arith.addi %mul3A_78, %add3A_260 : i32
      %add3A_262 = arith.constant 2 : i32
      %add3A_263 = arith.addi %add3A_261, %add3A_262 : i32
      %dma_wait3A_264 = arith.constant 0 : i32
      %dma_wait3A_265 = tpu.memref_slice %arg5[%add3A_263, %dma_wait3A_264] : memref<200x128xi32, #tpu.memory_space<vmem>> -> memref<1x128xi32, #tpu.memory_space<vmem>>
      %dma_wait3A_266 = tpu.memref_squeeze %dma_wait3A_265 : memref<1x128xi32, #tpu.memory_space<vmem>> -> memref<128xi32, #tpu.memory_space<vmem>>
      %dma_wait3A_267 = arith.constant 0 : i32
      %dma_wait3A_268 = arith.constant 0 : i32
      %dma_wait3A_269 = tpu.memref_slice %arg3[%dma_wait3A_267, %dma_wait3A_268] : memref<1000000x64xf32, #tpu.memory_space<hbm>> -> memref<1000000x64xf32, #tpu.memory_space<hbm>>
      tpu.wait_indirect_dma semaphore(%arg23 : memref<!tpu.dma_semaphore, #tpu.memory_space<semaphore_mem>>) src(%dma_wait3A_269 : memref<1000000x64xf32, #tpu.memory_space<hbm>>) dst(%arg13 : memref<128x64xf32, #tpu.memory_space<vmem>>)
      %mul3A_270 = arith.constant 128 : i32
      %mul3A_271 = arith.muli %add3A_263, %mul3A_270 : i32
      %add3A_272 = arith.addi %mul3A_2, %mul3A_271 : i32
      %dma_start3A_273 = arith.constant 0 : i32
      %dma_start3A_274 = tpu.memref_slice %arg4[%add3A_272, %dma_start3A_273] : memref<819200x64xf32, #tpu.memory_space<hbm>> -> memref<128x64xf32, #tpu.memory_space<hbm>>
      %dma_start3A_275 = arith.constant 0 : i32
      %dma_start3A_276 = tpu.memref_slice %arg4[%add3A_272, %dma_start3A_275] : memref<819200x64xf32, #tpu.memory_space<hbm>> -> memref<128x64xf32, #tpu.memory_space<hbm>>
      tpu.enqueue_dma source(%arg13 : memref<128x64xf32, #tpu.memory_space<vmem>>) target(%dma_start3A_276 : memref<128x64xf32, #tpu.memory_space<hbm>>) target_semaphore(%arg23 : memref<!tpu.dma_semaphore, #tpu.memory_space<semaphore_mem>>)
      %add3A_277 = arith.constant 5 : i32
      %add3A_278 = arith.addi %mul3A_78, %add3A_277 : i32
      %add3A_279 = arith.constant 3 : i32
      %add3A_280 = arith.addi %add3A_278, %add3A_279 : i32
      %dma_wait3A_281 = arith.constant 0 : i32
      %dma_wait3A_282 = tpu.memref_slice %arg5[%add3A_280, %dma_wait3A_281] : memref<200x128xi32, #tpu.memory_space<vmem>> -> memref<1x128xi32, #tpu.memory_space<vmem>>
      %dma_wait3A_283 = tpu.memref_squeeze %dma_wait3A_282 : memref<1x128xi32, #tpu.memory_space<vmem>> -> memref<128xi32, #tpu.memory_space<vmem>>
      %dma_wait3A_284 = arith.constant 0 : i32
      %dma_wait3A_285 = arith.constant 0 : i32
      %dma_wait3A_286 = tpu.memref_slice %arg3[%dma_wait3A_284, %dma_wait3A_285] : memref<1000000x64xf32, #tpu.memory_space<hbm>> -> memref<1000000x64xf32, #tpu.memory_space<hbm>>
      tpu.wait_indirect_dma semaphore(%arg24 : memref<!tpu.dma_semaphore, #tpu.memory_space<semaphore_mem>>) src(%dma_wait3A_286 : memref<1000000x64xf32, #tpu.memory_space<hbm>>) dst(%arg14 : memref<128x64xf32, #tpu.memory_space<vmem>>)
      %mul3A_287 = arith.constant 128 : i32
      %mul3A_288 = arith.muli %add3A_280, %mul3A_287 : i32
      %add3A_289 = arith.addi %mul3A_2, %mul3A_288 : i32
      %dma_start3A_290 = arith.constant 0 : i32
      %dma_start3A_291 = tpu.memref_slice %arg4[%add3A_289, %dma_start3A_290] : memref<819200x64xf32, #tpu.memory_space<hbm>> -> memref<128x64xf32, #tpu.memory_space<hbm>>
      %dma_start3A_292 = arith.constant 0 : i32
      %dma_start3A_293 = tpu.memref_slice %arg4[%add3A_289, %dma_start3A_292] : memref<819200x64xf32, #tpu.memory_space<hbm>> -> memref<128x64xf32, #tpu.memory_space<hbm>>
      tpu.enqueue_dma source(%arg14 : memref<128x64xf32, #tpu.memory_space<vmem>>) target(%dma_start3A_293 : memref<128x64xf32, #tpu.memory_space<hbm>>) target_semaphore(%arg24 : memref<!tpu.dma_semaphore, #tpu.memory_space<semaphore_mem>>)
      %add3A_294 = arith.constant 5 : i32
      %add3A_295 = arith.addi %mul3A_78, %add3A_294 : i32
      %add3A_296 = arith.constant 4 : i32
      %add3A_297 = arith.addi %add3A_295, %add3A_296 : i32
      %dma_wait3A_298 = arith.constant 0 : i32
      %dma_wait3A_299 = tpu.memref_slice %arg5[%add3A_297, %dma_wait3A_298] : memref<200x128xi32, #tpu.memory_space<vmem>> -> memref<1x128xi32, #tpu.memory_space<vmem>>
      %dma_wait3A_300 = tpu.memref_squeeze %dma_wait3A_299 : memref<1x128xi32, #tpu.memory_space<vmem>> -> memref<128xi32, #tpu.memory_space<vmem>>
      %dma_wait3A_301 = arith.constant 0 : i32
      %dma_wait3A_302 = arith.constant 0 : i32
      %dma_wait3A_303 = tpu.memref_slice %arg3[%dma_wait3A_301, %dma_wait3A_302] : memref<1000000x64xf32, #tpu.memory_space<hbm>> -> memref<1000000x64xf32, #tpu.memory_space<hbm>>
      tpu.wait_indirect_dma semaphore(%arg25 : memref<!tpu.dma_semaphore, #tpu.memory_space<semaphore_mem>>) src(%dma_wait3A_303 : memref<1000000x64xf32, #tpu.memory_space<hbm>>) dst(%arg15 : memref<128x64xf32, #tpu.memory_space<vmem>>)
      %mul3A_304 = arith.constant 128 : i32
      %mul3A_305 = arith.muli %add3A_297, %mul3A_304 : i32
      %add3A_306 = arith.addi %mul3A_2, %mul3A_305 : i32
      %dma_start3A_307 = arith.constant 0 : i32
      %dma_start3A_308 = tpu.memref_slice %arg4[%add3A_306, %dma_start3A_307] : memref<819200x64xf32, #tpu.memory_space<hbm>> -> memref<128x64xf32, #tpu.memory_space<hbm>>
      %dma_start3A_309 = arith.constant 0 : i32
      %dma_start3A_310 = tpu.memref_slice %arg4[%add3A_306, %dma_start3A_309] : memref<819200x64xf32, #tpu.memory_space<hbm>> -> memref<128x64xf32, #tpu.memory_space<hbm>>
      tpu.enqueue_dma source(%arg15 : memref<128x64xf32, #tpu.memory_space<vmem>>) target(%dma_start3A_310 : memref<128x64xf32, #tpu.memory_space<hbm>>) target_semaphore(%arg25 : memref<!tpu.dma_semaphore, #tpu.memory_space<semaphore_mem>>)
      %add3A_311 = arith.constant 0 : i32
      %add3A_312 = arith.addi %mul3A_2, %add3A_311 : i32
      %dma_wait3A_313 = arith.constant 0 : i32
      %dma_wait3A_314 = tpu.memref_slice %arg4[%add3A_312, %dma_wait3A_313] : memref<819200x64xf32, #tpu.memory_space<hbm>> -> memref<128x64xf32, #tpu.memory_space<hbm>>
      %dma_wait3A_315 = arith.constant 0 : i32
      %dma_wait3A_316 = tpu.memref_slice %arg4[%add3A_312, %dma_wait3A_315] : memref<819200x64xf32, #tpu.memory_space<hbm>> -> memref<128x64xf32, #tpu.memory_space<hbm>>
      tpu.wait_dma2 semaphore(%arg16 : memref<!tpu.dma_semaphore, #tpu.memory_space<semaphore_mem>>) src(%arg6 : memref<128x64xf32, #tpu.memory_space<vmem>>) dst(%dma_wait3A_316 : memref<128x64xf32, #tpu.memory_space<hbm>>)
      %lt3A = arith.constant 19 : i32
      %lt3A_317 = arith.cmpi slt, %add3A_74, %lt3A : i32
      %convert_element_type3A_318 = arith.extui %lt3A_317 : i1 to i32
      %cond3A_319 = arith.constant 0 : i32
      %cond3A_320 = arith.cmpi ne, %convert_element_type3A_318, %cond3A_319 : i32
      scf.if %cond3A_320 {
        %add3A_365 = arith.constant 10 : i32
        %add3A_366 = arith.addi %mul3A_78, %add3A_365 : i32
        %add3A_367 = arith.constant 0 : i32
        %add3A_368 = arith.addi %add3A_366, %add3A_367 : i32
        %dma_start3A_369 = arith.constant 0 : i32
        %dma_start3A_370 = tpu.memref_slice %arg5[%add3A_368, %dma_start3A_369] : memref<200x128xi32, #tpu.memory_space<vmem>> -> memref<1x128xi32, #tpu.memory_space<vmem>>
        %dma_start3A_371 = tpu.memref_squeeze %dma_start3A_370 : memref<1x128xi32, #tpu.memory_space<vmem>> -> memref<128xi32, #tpu.memory_space<vmem>>
        %dma_start3A_372 = arith.constant 0 : i32
        %dma_start3A_373 = arith.constant 0 : i32
        %dma_start3A_374 = tpu.memref_slice %arg3[%dma_start3A_372, %dma_start3A_373] : memref<1000000x64xf32, #tpu.memory_space<hbm>> -> memref<1000000x64xf32, #tpu.memory_space<hbm>>
        tpu.enqueue_indirect_dma source(%dma_start3A_374 : memref<1000000x64xf32, #tpu.memory_space<hbm>>) target(%arg6 : memref<128x64xf32, #tpu.memory_space<vmem>>) offsets(%dma_start3A_371 : memref<128xi32, #tpu.memory_space<vmem>>) semaphore(%arg16 : memref<!tpu.dma_semaphore, #tpu.memory_space<semaphore_mem>>)
      } else {
      }
      %add3A_321 = arith.constant 0 : i32
      %add3A_322 = arith.addi %mul3A_2, %add3A_321 : i32
      %dma_wait3A_323 = arith.constant 0 : i32
      %dma_wait3A_324 = tpu.memref_slice %arg4[%add3A_322, %dma_wait3A_323] : memref<819200x64xf32, #tpu.memory_space<hbm>> -> memref<128x64xf32, #tpu.memory_space<hbm>>
      %dma_wait3A_325 = arith.constant 0 : i32
      %dma_wait3A_326 = tpu.memref_slice %arg4[%add3A_322, %dma_wait3A_325] : memref<819200x64xf32, #tpu.memory_space<hbm>> -> memref<128x64xf32, #tpu.memory_space<hbm>>
      tpu.wait_dma2 semaphore(%arg17 : memref<!tpu.dma_semaphore, #tpu.memory_space<semaphore_mem>>) src(%arg7 : memref<128x64xf32, #tpu.memory_space<vmem>>) dst(%dma_wait3A_326 : memref<128x64xf32, #tpu.memory_space<hbm>>)
      %lt3A_327 = arith.constant 19 : i32
      %lt3A_328 = arith.cmpi slt, %add3A_74, %lt3A_327 : i32
      %convert_element_type3A_329 = arith.extui %lt3A_328 : i1 to i32
      %cond3A_330 = arith.constant 0 : i32
      %cond3A_331 = arith.cmpi ne, %convert_element_type3A_329, %cond3A_330 : i32
      scf.if %cond3A_331 {
        %add3A_365 = arith.constant 10 : i32
        %add3A_366 = arith.addi %mul3A_78, %add3A_365 : i32
        %add3A_367 = arith.constant 1 : i32
        %add3A_368 = arith.addi %add3A_366, %add3A_367 : i32
        %dma_start3A_369 = arith.constant 0 : i32
        %dma_start3A_370 = tpu.memref_slice %arg5[%add3A_368, %dma_start3A_369] : memref<200x128xi32, #tpu.memory_space<vmem>> -> memref<1x128xi32, #tpu.memory_space<vmem>>
        %dma_start3A_371 = tpu.memref_squeeze %dma_start3A_370 : memref<1x128xi32, #tpu.memory_space<vmem>> -> memref<128xi32, #tpu.memory_space<vmem>>
        %dma_start3A_372 = arith.constant 0 : i32
        %dma_start3A_373 = arith.constant 0 : i32
        %dma_start3A_374 = tpu.memref_slice %arg3[%dma_start3A_372, %dma_start3A_373] : memref<1000000x64xf32, #tpu.memory_space<hbm>> -> memref<1000000x64xf32, #tpu.memory_space<hbm>>
        tpu.enqueue_indirect_dma source(%dma_start3A_374 : memref<1000000x64xf32, #tpu.memory_space<hbm>>) target(%arg7 : memref<128x64xf32, #tpu.memory_space<vmem>>) offsets(%dma_start3A_371 : memref<128xi32, #tpu.memory_space<vmem>>) semaphore(%arg17 : memref<!tpu.dma_semaphore, #tpu.memory_space<semaphore_mem>>)
      } else {
      }
      %add3A_332 = arith.constant 0 : i32
      %add3A_333 = arith.addi %mul3A_2, %add3A_332 : i32
      %dma_wait3A_334 = arith.constant 0 : i32
      %dma_wait3A_335 = tpu.memref_slice %arg4[%add3A_333, %dma_wait3A_334] : memref<819200x64xf32, #tpu.memory_space<hbm>> -> memref<128x64xf32, #tpu.memory_space<hbm>>
      %dma_wait3A_336 = arith.constant 0 : i32
      %dma_wait3A_337 = tpu.memref_slice %arg4[%add3A_333, %dma_wait3A_336] : memref<819200x64xf32, #tpu.memory_space<hbm>> -> memref<128x64xf32, #tpu.memory_space<hbm>>
      tpu.wait_dma2 semaphore(%arg18 : memref<!tpu.dma_semaphore, #tpu.memory_space<semaphore_mem>>) src(%arg8 : memref<128x64xf32, #tpu.memory_space<vmem>>) dst(%dma_wait3A_337 : memref<128x64xf32, #tpu.memory_space<hbm>>)
      %lt3A_338 = arith.constant 19 : i32
      %lt3A_339 = arith.cmpi slt, %add3A_74, %lt3A_338 : i32
      %convert_element_type3A_340 = arith.extui %lt3A_339 : i1 to i32
      %cond3A_341 = arith.constant 0 : i32
      %cond3A_342 = arith.cmpi ne, %convert_element_type3A_340, %cond3A_341 : i32
      scf.if %cond3A_342 {
        %add3A_365 = arith.constant 10 : i32
        %add3A_366 = arith.addi %mul3A_78, %add3A_365 : i32
        %add3A_367 = arith.constant 2 : i32
        %add3A_368 = arith.addi %add3A_366, %add3A_367 : i32
        %dma_start3A_369 = arith.constant 0 : i32
        %dma_start3A_370 = tpu.memref_slice %arg5[%add3A_368, %dma_start3A_369] : memref<200x128xi32, #tpu.memory_space<vmem>> -> memref<1x128xi32, #tpu.memory_space<vmem>>
        %dma_start3A_371 = tpu.memref_squeeze %dma_start3A_370 : memref<1x128xi32, #tpu.memory_space<vmem>> -> memref<128xi32, #tpu.memory_space<vmem>>
        %dma_start3A_372 = arith.constant 0 : i32
        %dma_start3A_373 = arith.constant 0 : i32
        %dma_start3A_374 = tpu.memref_slice %arg3[%dma_start3A_372, %dma_start3A_373] : memref<1000000x64xf32, #tpu.memory_space<hbm>> -> memref<1000000x64xf32, #tpu.memory_space<hbm>>
        tpu.enqueue_indirect_dma source(%dma_start3A_374 : memref<1000000x64xf32, #tpu.memory_space<hbm>>) target(%arg8 : memref<128x64xf32, #tpu.memory_space<vmem>>) offsets(%dma_start3A_371 : memref<128xi32, #tpu.memory_space<vmem>>) semaphore(%arg18 : memref<!tpu.dma_semaphore, #tpu.memory_space<semaphore_mem>>)
      } else {
      }
      %add3A_343 = arith.constant 0 : i32
      %add3A_344 = arith.addi %mul3A_2, %add3A_343 : i32
      %dma_wait3A_345 = arith.constant 0 : i32
      %dma_wait3A_346 = tpu.memref_slice %arg4[%add3A_344, %dma_wait3A_345] : memref<819200x64xf32, #tpu.memory_space<hbm>> -> memref<128x64xf32, #tpu.memory_space<hbm>>
      %dma_wait3A_347 = arith.constant 0 : i32
      %dma_wait3A_348 = tpu.memref_slice %arg4[%add3A_344, %dma_wait3A_347] : memref<819200x64xf32, #tpu.memory_space<hbm>> -> memref<128x64xf32, #tpu.memory_space<hbm>>
      tpu.wait_dma2 semaphore(%arg19 : memref<!tpu.dma_semaphore, #tpu.memory_space<semaphore_mem>>) src(%arg9 : memref<128x64xf32, #tpu.memory_space<vmem>>) dst(%dma_wait3A_348 : memref<128x64xf32, #tpu.memory_space<hbm>>)
      %lt3A_349 = arith.constant 19 : i32
      %lt3A_350 = arith.cmpi slt, %add3A_74, %lt3A_349 : i32
      %convert_element_type3A_351 = arith.extui %lt3A_350 : i1 to i32
      %cond3A_352 = arith.constant 0 : i32
      %cond3A_353 = arith.cmpi ne, %convert_element_type3A_351, %cond3A_352 : i32
      scf.if %cond3A_353 {
        %add3A_365 = arith.constant 10 : i32
        %add3A_366 = arith.addi %mul3A_78, %add3A_365 : i32
        %add3A_367 = arith.constant 3 : i32
        %add3A_368 = arith.addi %add3A_366, %add3A_367 : i32
        %dma_start3A_369 = arith.constant 0 : i32
        %dma_start3A_370 = tpu.memref_slice %arg5[%add3A_368, %dma_start3A_369] : memref<200x128xi32, #tpu.memory_space<vmem>> -> memref<1x128xi32, #tpu.memory_space<vmem>>
        %dma_start3A_371 = tpu.memref_squeeze %dma_start3A_370 : memref<1x128xi32, #tpu.memory_space<vmem>> -> memref<128xi32, #tpu.memory_space<vmem>>
        %dma_start3A_372 = arith.constant 0 : i32
        %dma_start3A_373 = arith.constant 0 : i32
        %dma_start3A_374 = tpu.memref_slice %arg3[%dma_start3A_372, %dma_start3A_373] : memref<1000000x64xf32, #tpu.memory_space<hbm>> -> memref<1000000x64xf32, #tpu.memory_space<hbm>>
        tpu.enqueue_indirect_dma source(%dma_start3A_374 : memref<1000000x64xf32, #tpu.memory_space<hbm>>) target(%arg9 : memref<128x64xf32, #tpu.memory_space<vmem>>) offsets(%dma_start3A_371 : memref<128xi32, #tpu.memory_space<vmem>>) semaphore(%arg19 : memref<!tpu.dma_semaphore, #tpu.memory_space<semaphore_mem>>)
      } else {
      }
      %add3A_354 = arith.constant 0 : i32
      %add3A_355 = arith.addi %mul3A_2, %add3A_354 : i32
      %dma_wait3A_356 = arith.constant 0 : i32
      %dma_wait3A_357 = tpu.memref_slice %arg4[%add3A_355, %dma_wait3A_356] : memref<819200x64xf32, #tpu.memory_space<hbm>> -> memref<128x64xf32, #tpu.memory_space<hbm>>
      %dma_wait3A_358 = arith.constant 0 : i32
      %dma_wait3A_359 = tpu.memref_slice %arg4[%add3A_355, %dma_wait3A_358] : memref<819200x64xf32, #tpu.memory_space<hbm>> -> memref<128x64xf32, #tpu.memory_space<hbm>>
      tpu.wait_dma2 semaphore(%arg20 : memref<!tpu.dma_semaphore, #tpu.memory_space<semaphore_mem>>) src(%arg10 : memref<128x64xf32, #tpu.memory_space<vmem>>) dst(%dma_wait3A_359 : memref<128x64xf32, #tpu.memory_space<hbm>>)
      %lt3A_360 = arith.constant 19 : i32
      %lt3A_361 = arith.cmpi slt, %add3A_74, %lt3A_360 : i32
      %convert_element_type3A_362 = arith.extui %lt3A_361 : i1 to i32
      %cond3A_363 = arith.constant 0 : i32
      %cond3A_364 = arith.cmpi ne, %convert_element_type3A_362, %cond3A_363 : i32
      scf.if %cond3A_364 {
        %add3A_365 = arith.constant 10 : i32
        %add3A_366 = arith.addi %mul3A_78, %add3A_365 : i32
        %add3A_367 = arith.constant 4 : i32
        %add3A_368 = arith.addi %add3A_366, %add3A_367 : i32
        %dma_start3A_369 = arith.constant 0 : i32
        %dma_start3A_370 = tpu.memref_slice %arg5[%add3A_368, %dma_start3A_369] : memref<200x128xi32, #tpu.memory_space<vmem>> -> memref<1x128xi32, #tpu.memory_space<vmem>>
        %dma_start3A_371 = tpu.memref_squeeze %dma_start3A_370 : memref<1x128xi32, #tpu.memory_space<vmem>> -> memref<128xi32, #tpu.memory_space<vmem>>
        %dma_start3A_372 = arith.constant 0 : i32
        %dma_start3A_373 = arith.constant 0 : i32
        %dma_start3A_374 = tpu.memref_slice %arg3[%dma_start3A_372, %dma_start3A_373] : memref<1000000x64xf32, #tpu.memory_space<hbm>> -> memref<1000000x64xf32, #tpu.memory_space<hbm>>
        tpu.enqueue_indirect_dma source(%dma_start3A_374 : memref<1000000x64xf32, #tpu.memory_space<hbm>>) target(%arg10 : memref<128x64xf32, #tpu.memory_space<vmem>>) offsets(%dma_start3A_371 : memref<128xi32, #tpu.memory_space<vmem>>) semaphore(%arg20 : memref<!tpu.dma_semaphore, #tpu.memory_space<semaphore_mem>>)
      } else {
      }
    }
    %scan3A_40 = arith.constant 20 : i32
    %add3A_41 = arith.constant 0 : i32
    %add3A_42 = arith.addi %mul3A_2, %add3A_41 : i32
    %dma_wait3A = arith.constant 0 : i32
    %dma_wait3A_43 = tpu.memref_slice %arg4[%add3A_42, %dma_wait3A] : memref<819200x64xf32, #tpu.memory_space<hbm>> -> memref<128x64xf32, #tpu.memory_space<hbm>>
    %dma_wait3A_44 = arith.constant 0 : i32
    %dma_wait3A_45 = tpu.memref_slice %arg4[%add3A_42, %dma_wait3A_44] : memref<819200x64xf32, #tpu.memory_space<hbm>> -> memref<128x64xf32, #tpu.memory_space<hbm>>
    tpu.wait_dma2 semaphore(%arg21 : memref<!tpu.dma_semaphore, #tpu.memory_space<semaphore_mem>>) src(%arg11 : memref<128x64xf32, #tpu.memory_space<vmem>>) dst(%dma_wait3A_45 : memref<128x64xf32, #tpu.memory_space<hbm>>)
    %add3A_46 = arith.constant 0 : i32
    %add3A_47 = arith.addi %mul3A_2, %add3A_46 : i32
    %dma_wait3A_48 = arith.constant 0 : i32
    %dma_wait3A_49 = tpu.memref_slice %arg4[%add3A_47, %dma_wait3A_48] : memref<819200x64xf32, #tpu.memory_space<hbm>> -> memref<128x64xf32, #tpu.memory_space<hbm>>
    %dma_wait3A_50 = arith.constant 0 : i32
    %dma_wait3A_51 = tpu.memref_slice %arg4[%add3A_47, %dma_wait3A_50] : memref<819200x64xf32, #tpu.memory_space<hbm>> -> memref<128x64xf32, #tpu.memory_space<hbm>>
    tpu.wait_dma2 semaphore(%arg22 : memref<!tpu.dma_semaphore, #tpu.memory_space<semaphore_mem>>) src(%arg12 : memref<128x64xf32, #tpu.memory_space<vmem>>) dst(%dma_wait3A_51 : memref<128x64xf32, #tpu.memory_space<hbm>>)
    %add3A_52 = arith.constant 0 : i32
    %add3A_53 = arith.addi %mul3A_2, %add3A_52 : i32
    %dma_wait3A_54 = arith.constant 0 : i32
    %dma_wait3A_55 = tpu.memref_slice %arg4[%add3A_53, %dma_wait3A_54] : memref<819200x64xf32, #tpu.memory_space<hbm>> -> memref<128x64xf32, #tpu.memory_space<hbm>>
    %dma_wait3A_56 = arith.constant 0 : i32
    %dma_wait3A_57 = tpu.memref_slice %arg4[%add3A_53, %dma_wait3A_56] : memref<819200x64xf32, #tpu.memory_space<hbm>> -> memref<128x64xf32, #tpu.memory_space<hbm>>
    tpu.wait_dma2 semaphore(%arg23 : memref<!tpu.dma_semaphore, #tpu.memory_space<semaphore_mem>>) src(%arg13 : memref<128x64xf32, #tpu.memory_space<vmem>>) dst(%dma_wait3A_57 : memref<128x64xf32, #tpu.memory_space<hbm>>)
    %add3A_58 = arith.constant 0 : i32
    %add3A_59 = arith.addi %mul3A_2, %add3A_58 : i32
    %dma_wait3A_60 = arith.constant 0 : i32
    %dma_wait3A_61 = tpu.memref_slice %arg4[%add3A_59, %dma_wait3A_60] : memref<819200x64xf32, #tpu.memory_space<hbm>> -> memref<128x64xf32, #tpu.memory_space<hbm>>
    %dma_wait3A_62 = arith.constant 0 : i32
    %dma_wait3A_63 = tpu.memref_slice %arg4[%add3A_59, %dma_wait3A_62] : memref<819200x64xf32, #tpu.memory_space<hbm>> -> memref<128x64xf32, #tpu.memory_space<hbm>>
    tpu.wait_dma2 semaphore(%arg24 : memref<!tpu.dma_semaphore, #tpu.memory_space<semaphore_mem>>) src(%arg14 : memref<128x64xf32, #tpu.memory_space<vmem>>) dst(%dma_wait3A_63 : memref<128x64xf32, #tpu.memory_space<hbm>>)
    %add3A_64 = arith.constant 0 : i32
    %add3A_65 = arith.addi %mul3A_2, %add3A_64 : i32
    %dma_wait3A_66 = arith.constant 0 : i32
    %dma_wait3A_67 = tpu.memref_slice %arg4[%add3A_65, %dma_wait3A_66] : memref<819200x64xf32, #tpu.memory_space<hbm>> -> memref<128x64xf32, #tpu.memory_space<hbm>>
    %dma_wait3A_68 = arith.constant 0 : i32
    %dma_wait3A_69 = tpu.memref_slice %arg4[%add3A_65, %dma_wait3A_68] : memref<819200x64xf32, #tpu.memory_space<hbm>> -> memref<128x64xf32, #tpu.memory_space<hbm>>
    tpu.wait_dma2 semaphore(%arg25 : memref<!tpu.dma_semaphore, #tpu.memory_space<semaphore_mem>>) src(%arg15 : memref<128x64xf32, #tpu.memory_space<vmem>>) dst(%dma_wait3A_69 : memref<128x64xf32, #tpu.memory_space<hbm>>)
    return
  }
}

</mosaic_0001>

<sc_bundles>
// kernel: kernel.3.cloned.1.call-start
scs
__scs_entry_jumppad:
0x0: {  	(pc) =	sbr.rel $0x88, $3  }
0x1: {  	(tag) =	ssettag $0x0;
	lr =	simm.s32 $0x1  }
0x2: {  	[smem:$0x3F9F] =	sst lr;
	_ =	strace $0xD0000000  }
0x3: {  	_ = 	snop  }
0x4: {  	_ = 	snop  }
0x5: {  	_ = 	snop  }
0x6: {  	_ = 	snop  }
0x7: {  	_ = 	snop  }
__scs_overlays_trampoline_lowered:
0x8: {  	[smem:$0x3FAE] =	sst s0  }
0x9: {  	[smem:$0x3FAF] =	sst s1  }
0xa: {  	[smem:$0x3FB0] =	sst s2  }
0xb: {  	[smem:$0x3FB1] =	sst s3  }
0xc: {  	[smem:$0x3FB2] =	sst s4  }
0xd: {  	[smem:$0x3FB3] =	sst s5  }
0xe: {  	[smem:$0x3FB4] =	sst s6  }
0xf: {  	[smem:$0x3FB5] =	sst s7  }
0x10: {  	[smem:$0x3FB6] =	sst s8  }
0x11: {  	[smem:$0x3FB7] =	sst s9;
	s0 =	simm.s32 @!p0 $0x0  }
0x12: {  	s1 =	sld [smem:$0x3F9D];
	s0 =	simm.s32 @p0 $0x1  }
0x13: {  	[smem:$0x3FB8] =	sst s0;
	s0 =	simm.s32 @!p1 $0x0  }
0x14: {  	s2 =	sld [smem:$0x3F9C];
	s0 =	simm.s32 @p1 $0x1  }
0x15: {  	[smem:$0x3FB9] =	sst s0;
	s0 =	simm.s32 @!p2 $0x0  }
0x16: {  	s3 =	sld [smem:$0x3FDB];
	s0 =	simm.s32 @p2 $0x1  }
0x17: {  	s4 =	simm.s32 $0x1BF5;
	[smem:$0x3FBB] =	sst s0  }
0x18: {  	s0 =	sld [smem:$0x3F9E];
	_ =	swait.ge [sflag:s4], $0x0  }
0x19: {  	s7 =	sld [smem:$0x3F9F]  }
0x1a: {  	s8 =	sadd.s32 $0xFFFFE003, lr  }
0x1b: {  	s9 =	sadd.s32 $0xFFFFFEF7, lr;
	s5 =	simm.s32 $0xFFFFFFFF;
	p2 =	slt.u32 s8, $0xFFFFF086  }
0x1c: {  	p1 =	slt.u32 s9, $0xF7A;
	s5 =	simm.s32 @!p2 $0x0  }
0x1d: {  	s5 =	simm.s32 @p1 $0x1;
	p0 =	seq.s32 s7, s2  }
0x1e: {  	s7 =	smul.u32 @!p0 $0xF7A, s2;
	p2 =	seq.s32 @!p0 s5, $0x0  }
0x1f: {  	s9 =	smul.u32 $0xF7A, s1;
	s8 =	simm.s32 @!p0 $0x1BF5;
	p2 =	por !p2, p0  }
0x20: {  	[sflag:s8] =	ssyncset.s32 @!p0 $0xFFFFF086;
	s6 =	sadd.s32 @!p0 s3, s7;
	s7 =	simm.s32 @!p0 $0x108  }
0x21: {  	s3 =	sadd.s32 s3, s9;
	s6 =	sadd.s32 @!p0 $0x88, s6;
	s7 =	simm.s32 @p2 $0x1082  }
0x22: {  	[simem:s7], [sflag:s8] =	dma.local @!p0 [hbm:s6], $0xF7A  }
0x23: {  	s9 =	sor.u32 $0xD0000000, s2;
	s6 =	simm.s32 $0x108;
	_ =	swait.ge @!p0 [sflag:s8], $0x0  }
0x24: {  	s3 =	sadd.s32 $0x88, s3;
	s6 =	simm.s32 @!p1 $0x1082;
	[sflag:s4] =	ssyncset.s32 $0xFFFFF086  }
0x25: {  	[simem:s6], [sflag:s4] =	dma.local [hbm:s3], $0xF7A  }
0x26: {  	[smem:$0x3F9F] =	sst s1;
	(tag) =	ssettag s2;
	_ =	strace s9  }
0x27: {  	s1 =	sld [smem:$0x3FAF]  }
0x28: {  	s2 =	sld [smem:$0x3FB0]  }
0x29: {  	s4 =	sld [smem:$0x3FB2]  }
0x2a: {  	p0 =	seq.s32 s5, $0x0;
	s5 =	sld [smem:$0x3FB3]  }
0x2b: {  	s6 =	sld [smem:$0x3FB4]  }
0x2c: {  	s7 =	sld [smem:$0x3FB5]  }
0x2d: {  	s3 =	simm.s32 $0x108;
	s8 =	sld [smem:$0x3FB6]  }
0x2e: {  	s3 =	simm.s32 @!p0 $0x1082;
	s9 =	sld [smem:$0x3FB7]  }
0x2f: {  	lr =	sadd.s32 s0, s3;
	s0 =	sld [smem:$0x3FAE]  }
0x30: {  	s3 =	sld [smem:$0x3FB1]  }
0x31: {  	[smem:$0x3FBA] =	sst s10  }
0x32: {  	s10 =	sld [smem:$0x3FB8];
	_ =	sdelay $0x3  }
0x33: {  	p0 =	seq.s32 s10, $0x1;
	s10 =	sld [smem:$0x3FBA];
	_ =	sdelay $0x3  }
0x34: {  	[smem:$0x3FBA] =	sst s10  }
0x35: {  	s10 =	sld [smem:$0x3FB9];
	_ =	sdelay $0x3  }
0x36: {  	p1 =	seq.s32 s10, $0x1;
	s10 =	sld [smem:$0x3FBA];
	_ =	sdelay $0x3  }
0x37: {  	[smem:$0x3FBA] =	sst s10  }
0x38: {  	s10 =	sld [smem:$0x3FBB]  }
0x39: {  	_ = 	snop;
	(pc) =	sbr.ind lr, $3  }
0x3a: {  	_ = 	snop  }
0x3b: {  	_ = 	snop  }
0x3c: {  	p2 =	seq.s32 s10, $0x1;
	s10 =	sld [smem:$0x3FBA]  }
0x3d: {  	_ =	shalt  }
0x3e: {  	_ =	shalt  }
0x3f: {  	_ =	shalt  }
0x40: {  	_ =	shalt  }
0x41: {  	_ =	shalt  }
0x42: {  	_ =	shalt  }
0x43: {  	_ =	shalt  }
0x44: {  	_ =	shalt  }
0x45: {  	_ =	shalt  }
0x46: {  	_ =	shalt  }
0x47: {  	_ =	shalt  }
0x48: {  	_ =	shalt  }
0x49: {  	_ =	shalt  }
0x4a: {  	_ =	shalt  }
0x4b: {  	_ =	shalt  }
0x4c: {  	_ =	shalt  }
0x4d: {  	_ =	shalt  }
0x4e: {  	_ =	shalt  }
0x4f: {  	_ =	shalt  }
0x50: {  	_ =	shalt  }
0x51: {  	_ =	shalt  }
0x52: {  	_ =	shalt  }
0x53: {  	_ =	shalt  }
0x54: {  	_ =	shalt  }
0x55: {  	_ =	shalt  }
0x56: {  	_ =	shalt  }
0x57: {  	_ =	shalt  }
0x58: {  	_ =	shalt  }
0x59: {  	_ =	shalt  }
0x5a: {  	_ =	shalt  }
0x5b: {  	_ =	shalt  }
0x5c: {  	_ =	shalt  }
0x5d: {  	_ =	shalt  }
0x5e: {  	_ =	shalt  }
0x5f: {  	_ =	shalt  }
0x60: {  	_ =	shalt  }
0x61: {  	_ =	shalt  }
0x62: {  	_ =	shalt  }
0x63: {  	_ =	shalt  }
0x64: {  	_ =	shalt  }
0x65: {  	_ =	shalt  }
0x66: {  	_ =	shalt  }
0x67: {  	_ =	shalt  }
0x68: {  	_ =	shalt  }
0x69: {  	_ =	shalt  }
0x6a: {  	_ =	shalt  }
0x6b: {  	_ =	shalt  }
0x6c: {  	_ =	shalt  }
0x6d: {  	_ =	shalt  }
0x6e: {  	_ =	shalt  }
0x6f: {  	_ =	shalt  }
0x70: {  	_ =	shalt  }
0x71: {  	_ =	shalt  }
0x72: {  	_ =	shalt  }
0x73: {  	_ =	shalt  }
0x74: {  	_ =	shalt  }
0x75: {  	_ =	shalt  }
0x76: {  	_ =	shalt  }
0x77: {  	_ =	shalt  }
0x78: {  	_ =	shalt  }
0x79: {  	_ =	shalt  }
0x7a: {  	_ =	shalt  }
0x7b: {  	_ =	shalt  }
0x7c: {  	_ =	shalt  }
0x7d: {  	_ =	shalt  }
0x7e: {  	_ =	shalt  }
0x7f: {  	_ =	shalt  }
0x80: {  	_ =	shalt  }
0x81: {  	_ =	shalt  }
0x82: {  	_ =	shalt  }
0x83: {  	_ =	shalt  }
0x84: {  	_ =	shalt  }
0x85: {  	_ =	shalt  }
0x86: {  	_ =	shalt  }
0x87: {  	_ =	shalt  }
.Lfunc_end0:
.L_simem_size_0:
called_computation.1_lowered:
.L_overlay_start_0:
0x88: {  	s2 =	sld [smem:$0x3FD9]  }
0x89: {  	s3 =	sld [smem:$0x3FFE];
	_ =	sdelay $0x1  }
0x8a: {  	s1 =	srdreg.scid  }
0x8b: {  	s0 =	sand.u32 $0x1, s1  }
0x8c: {  	s17 =	sshll.u32 s0, $0xA;
	s2 =	sadd.s32 s3, s2  }
0x8d: {  	s2 =	sadd.s32 s2, s17  }
0x8e: {  	[smem:$0x3FC6] =	sst s2  }
0x8f: {  	_ = 	snop  }
0x90: {  	s2 =	sld [smem:$0x3FD0];
	(tm) =	ssettm $0x1  }
0x91: {  	s18 =	sld [smem:$0x3FFB];
	_ =	sdelay $0x3  }
0x92: {  	_ =	strace s18  }
0x93: {  	s3 =	sld [smem:$0x3FFC];
	_ =	sdelay $0x3  }
0x94: {  	_ =	strace s3  }
0x95: {  	s3 =	sld [smem:$0x3FFD];
	_ =	sdelay $0x3  }
0x96: {  	_ =	strace s3  }
0x97: {  	_ =	strace $0x8FFFFFFF  }
0x98: {  	s19 =	sld [smem:$0x3FDB];
	_ =	sdelay $0x1  }
0x99: {  	s4 =	simm.s32 $_scs_section_size  }
0x9a: {  	s5 =	simm.s32 $_size__tile_overlayer_lowered;
	s6 =	simm.s32 $_tile_overlayer_lowered  }
0x9b: {  	s22 =	simm.s32 $0x1BFF;
	s21 =	sshll.u32 s6, $0x1;
	s3 =	sadd.s32 s4, s19  }
0x9c: {  	s7 =	simm.s32 $0x0;
	s20 =	sshll.u32 s5, $0x1;
	s5 =	sadd.s32 s21, s3  }
0x9d: {  	[timem:s7], [sflag:s22] =	dma.local [hbm:s5], s20  }
0x9e: {  	_ =	swait.ge [sflag:s22], s20  }
0x9f: {  	s4 =	ssub.s32 $0x0, s20;
	[sflag:s22] =	ssyncset.done $0x0  }
0xa0: {  	[sflag:s22] =	ssyncadd.s32 s4;
	_ =	sdelay $0x1  }
0xa1: {  	s23 =	simm.s32 $0x1B8B  }
0xa2: {  	_ =	swait.ge [sflag:s23], $0x1  }
0xa3: {  	[sflag:s23] =	ssyncset.done $0x0  }
0xa4: {  	s25 =	simm.s32 $0x1B8E;
	s24 =	sld [smem:$0x3FFE];
	[sflag:s23] =	ssyncadd.s32 $0xFFFFFFFF  }
0xa5: {  	s26 =	simm.s32 $execute0_lowered;
	[smem:$0x3FD2] =	sst s25  }
0xa6: {  	s5 =	sshll.u32 s26, $0x1;
	_ =	strace $0x80000046;
	[dreg:$0x1] =	wrdreg $0xFFFFFFFF  }
0xa7: {  	s28 =	simm.s32 $_size_execute0_lowered;
	s3 =	sadd.s32 s3, s5;
	[dreg:$0x0] =	wrdreg $0x0  }
0xa8: {  	s5 =	sshll.u32 s28, $0x1;
	[dreg:$0x2] =	wrdreg s3  }
0xa9: {  	[dreg:$0x3] =	wrdreg s5  }
0xaa: {  	[dreg:$0x4] =	wrdreg $0xC0  }
0xab: {  	_ =	task [dreg:s7], $0x5FFFF  }
0xac: {  	[dreg:$0x1] =	wrdreg $0xFFFFFFFF  }
0xad: {  	[dreg:$0x0] =	wrdreg $0x60  }
0xae: {  	[dreg:$0x2] =	wrdreg s24  }
0xaf: {  	[dreg:$0x3] =	wrdreg s2  }
0xb0: {  	[dreg:$0x4] =	wrdreg $0x9  }
0xb1: {  	_ =	task.clear_ibuf [dreg:s7], $0x5FFFF;
	_ =	strace $0x90000046  }
0xb2: {  	s29 =	simm.s32 $0x9;
	_ =	strace $0x80000048  }
0xb3: {  	_ =	swait.ge [sflag:s29], $0x1  }
0xb4: {  	[sflag:s29] =	ssyncadd.s32 $0xFFFFFFFF  }
0xb5: {  	_ =	strace $0x90000048  }
0xb6: {  	_ =	sfence  }
0xb7: {  	s30 =	sld [smem:$0x0];
	_ =	sdelay $0x2  }
0xb8: {  	s31 =	sshll.u32 s1, $0xD;
	s1 =	sshrl.u32 s1, $0x2  }
0xb9: {  	s3 =	sand.u32 $0x4000, s31;
	s1 =	sadd.s32 s1, s30  }
0xba: {  	s0 =	sor.u32 s3, s0;
	s1 =	sshll.u32 s1, $0x11  }
0xbb: {  	s0 =	sor.u32 s1, s0  }
0xbc: {  	s0 =	sadd.s32 $0x8F2B, s0  }
0xbd: {  	[sflag:s0] =	ssyncadd.remote.s32 $0x1  }
0xbe: {  	_ =	sfence.sel $0xFFFF  }
0xbf: {  	[dreg:$0x0] =	wrdreg $0xFFFFFFFF;
	(pc) =	sbr.abs _section_cstart, $3  }
0xc0: {  	[dreg:$0x1] =	wrdreg $0xFFFFFFFF  }
0xc1: {  	_ =	task.clear_ibuf [dreg:s7], $0x2FFFF;
	_ =	strace $0x9FFFFFFF  }
0xc2: {  	(tm) =	ssettm $0x7FFFFFFF  }
0xc3: {  	_ =	shalt  }
tec
execute0_lowered:
.L_overlay_start_1:
0x0: {  	(tag) =	ssettag $0x1  }
0x1: {  	s0 =	rddreg [dreg:$0x0];
	s1 =	srdreg.scid  }
0x2: {  	s9 =	stileid.u32;
	s18 =	rddreg [dreg:$0x1]  }
0x3: {  	s3 =	simm.s32 $0x0;
	s15 =	simm.s32 $0x80;
	s16 =	simm.s32 $0x6400  }
0x4: {  	s17 =	simm.s32 $0x8400;
	s28 =	simm.s32 $0x4;
	s29 =	simm.s32 $0x5  }
0x5: {  	s30 =	simm.s32 $0x18400;
	s31 =	simm.s32 $0x6;
	s19 =	smul.u32 $0xC800, s9  }
0x6: {  	s14 =	simm.s32 $0xA;
	s1 =	sand.u32 $0x1, s1;
	s23 =	smul.u32 $0x64000, s9  }
0x7: {  	s2 =	sshll.u32 s9, $0x1;
	[smem:$0x7FF] =	sst s3;
	s7 =	smul.u32 $0x6400, s1  }
0x8: {  	s2 =	sor.u32 s1, s2;
	s6 =	ssub.s32 $0x2, s1;
	s1 =	smul.u32 $0x32000, s1  }
0x9: {  	_ =	strace $0x80000047;
	s4 =	smul.u32 $0x6400, s2;
	s20 =	sshrl.u32 s6, $0x1  }
0xa: {  	s2 =	sadd.s32 s7, s19;
	s13 =	sadd.s32 s1, s23;
	s19 =	simm.s32 $0xA400  }
0xb: {  	s23 =	simm.s32 $0xE400;
	s5 =	sshrl.u32 s4, $0x3;
	s22 =	sshll.u32 s2, $0x3  }
0xc: {  	s2 =	simm.s32 $0x0;
	s8 =	sadd.s32 s5, s0;
	s5 =	sadd.s32 $0xF42E00, s0  }
0xd: {  	s0 =	ssub.s32 s6, s20;
	s24 =	sor.u32 $0x1000, s22;
	s25 =	sor.u32 $0xC00, s22  }
0xe: {  	s26 =	sor.u32 $0x800, s22;
	s11 =	sor.u32 $0x400, s22;
	s12 =	sadd.s32 $0x2400, s22  }
.Ltmp0:
0xf: {  	s20 =	simm.s32 $0x8;
	[dreg:$0x5] =	wrdreg s24;
	(pc) =	sbr.rel .LBB2_1-.Ltmp0, $4  }
0x10: {  	s6 =	simm.s32 $0x9;
	s21 =	sadd.s32 $0xA00, s8;
	[dreg:$0x6] =	wrdreg s25  }
0x11: {  	s0 =	smax.u32 s0, $0x1;
	[dreg:$0x7] =	wrdreg s26;
	s24 =	simm.s32 $0x1  }
0x12: {  	s25 =	simm.s32 $0x2;
	s26 =	simm.s32 $0x3;
	[dreg:$0x3] =	wrdreg s21  }
0x13: {  	[dreg:$0x4] =	wrdreg s0;
	s21 =	simm.s32 $0xC400;
	s0 =	simm.s32 $0x7  }
.LBB2_4:
0x14: {  	_ =	swait.ge [sflag:s25], $0x2000  }
0x15: {  	[sflag:s25] =	ssyncset.done $0x0  }
0x16: {  	[sflag:s25] =	ssyncadd.s32 $0xFFFFE000  }
0x17: {  	_ =	swait.ge [sflag:s26], $0x2000  }
0x18: {  	[sflag:s26] =	ssyncset.done $0x0  }
0x19: {  	[sflag:s26] =	ssyncadd.s32 $0xFFFFE000  }
0x1a: {  	_ =	swait.ge [sflag:s28], $0x2000  }
0x1b: {  	[sflag:s28] =	ssyncset.done $0x0  }
0x1c: {  	[sflag:s28] =	ssyncadd.s32 $0xFFFFE000  }
0x1d: {  	_ =	swait.ge [sflag:s29], $0x2000  }
0x1e: {  	[sflag:s29] =	ssyncset.done $0x0  }
0x1f: {  	[sflag:s29] =	ssyncadd.s32 $0xFFFFE000  }
0x20: {  	_ =	swait.ge [sflag:s31], $0x2000  }
0x21: {  	[sflag:s31] =	ssyncset.done $0x0  }
0x22: {  	[sflag:s31] =	ssyncadd.s32 $0xFFFFE000  }
0x23: {  	_ =	swait.ge [sflag:s0], $0x2000  }
0x24: {  	[sflag:s0] =	ssyncset.done $0x0  }
0x25: {  	[sflag:s0] =	ssyncadd.s32 $0xFFFFE000  }
0x26: {  	_ =	swait.ge [sflag:s20], $0x2000  }
0x27: {  	[sflag:s20] =	ssyncset.done $0x0  }
0x28: {  	[sflag:s20] =	ssyncadd.s32 $0xFFFFE000  }
0x29: {  	_ =	swait.ge [sflag:s6], $0x2000  }
0x2a: {  	[sflag:s6] =	ssyncset.done $0x0  }
0x2b: {  	[sflag:s6] =	ssyncadd.s32 $0xFFFFE000  }
0x2c: {  	_ =	swait.ge [sflag:s14], $0x2000  }
0x2d: {  	s2 =	rddreg [dreg:$0x8]  }
0x2e: {  	s1 =	rddreg [dreg:$0x4];
	s2 =	sadd.s32 $0x1, s2  }
0x2f: {  	p0 =	sne.s32 s2, s1  }
.Ltmp1:
0x30: {  	_ = 	snop;
	(pc) =	sbr.rel @!p0 .LBB2_5-.Ltmp1, $3  }
0x31: {  	_ =	sdelay $0x1  }
0x32: {  	[sflag:s14] =	ssyncset.done $0x0  }
0x33: {  	[sflag:s14] =	ssyncadd.s32 $0xFFFFE000  }
.LBB2_1:
0x34: {  	[dreg:$0x8] =	wrdreg s2  }
0x35: {  	s1 =	rddreg [dreg:$0x3];
	s8 =	simm.s32 $0xB  }
0x36: {  	[tilespmem:s3], [sflag:$0xB] =	stream.linear.gather [hbm4b:s1+s3], $0x6400, $0x38;
	[tilespmem:$0x1A400] =	vst v63  }
0x37: {  	_ =	swait.ge [sflag:s8], $0x6400  }
0x38: {  	[sflag:s8] =	ssyncset.done $0x0  }
0x39: {  	[sflag:s8] =	ssyncadd.s32 $0xFFFF9C00  }
0x3a: {  	[tilespmem:s16], [sflag:$0x1] =	stream.indirect.gather [hbm4b:s5+s15], $0x40, s3, s15, $0xb8;
	[tilespmem:$0x1A400] =	vst v63  }
0x3b: {  	_ = 	snop  }
0x3c: {  	[tilespmem:s17], [sflag:$0x2] =	stream.indirect.gather [hbm4b:s5+s15], $0x40, s15, s15, $0xb8;
	[tilespmem:$0x1A400] =	vst v63  }
0x3d: {  	s9 =	simm.s32 $0x100  }
0x3e: {  	[tilespmem:s19], [sflag:$0x3] =	stream.indirect.gather [hbm4b:s5+s15], $0x40, s9, s15, $0xb8;
	[tilespmem:$0x1A400] =	vst v63  }
0x3f: {  	s10 =	simm.s32 $0x180  }
0x40: {  	[tilespmem:s21], [sflag:$0x4] =	stream.indirect.gather [hbm4b:s5+s15], $0x40, s10, s15, $0xb8;
	[tilespmem:$0x1A400] =	vst v63  }
0x41: {  	s22 =	simm.s32 $0x200  }
0x42: {  	[tilespmem:s23], [sflag:$0x5] =	stream.indirect.gather [hbm4b:s5+s15], $0x40, s22, s15, $0xb8;
	[tilespmem:$0x1A400] =	vst v63  }
0x43: {  	s2 =	smov.u32 s18;
	s1 =	simm.s32 $0x400;
	s22 =	simm.s32 $0x0  }
.LBB2_2:
0x44: {  	_ =	swait.ge [sflag:s24], $0x2000  }
0x45: {  	[sflag:s24] =	ssyncset.done $0x0  }
0x46: {  	s7 =	sadd.s32 s2, s13;
	[sflag:s24] =	ssyncadd.s32 $0xFFFFE000  }
0x47: {  	[hbm4b:s7+s3] =	stream.linear.scatter [tilespmem:s16], [sflag:$0x1], $0x2000, $0x38;
	[tilespmem:$0x1A400] =	vst v63  }
0x48: {  	_ =	swait.ge [sflag:s25], $0x2000  }
0x49: {  	[sflag:s25] =	ssyncset.done $0x0  }
0x4a: {  	s8 =	sadd.s32 s2, s11;
	[sflag:s25] =	ssyncadd.s32 $0xFFFFE000  }
0x4b: {  	[hbm4b:s8+s3] =	stream.linear.scatter [tilespmem:s17], [sflag:$0x2], $0x2000, $0x38;
	[tilespmem:$0x1A400] =	vst v63  }
0x4c: {  	_ =	swait.ge [sflag:s26], $0x2000  }
0x4d: {  	[sflag:s26] =	ssyncset.done $0x0;
	s9 =	rddreg [dreg:$0x7]  }
0x4e: {  	[sflag:s26] =	ssyncadd.s32 $0xFFFFE000;
	s7 =	sadd.s32 s2, s9  }
0x4f: {  	[hbm4b:s7+s3] =	stream.linear.scatter [tilespmem:s19], [sflag:$0x3], $0x2000, $0x38;
	[tilespmem:$0x1A400] =	vst v63  }
0x50: {  	_ =	swait.ge [sflag:s28], $0x2000  }
0x51: {  	[sflag:s28] =	ssyncset.done $0x0;
	s10 =	rddreg [dreg:$0x6]  }
0x52: {  	[sflag:s28] =	ssyncadd.s32 $0xFFFFE000;
	s7 =	sadd.s32 s2, s10  }
0x53: {  	[hbm4b:s7+s3] =	stream.linear.scatter [tilespmem:s21], [sflag:$0x4], $0x2000, $0x38;
	[tilespmem:$0x1A400] =	vst v63  }
0x54: {  	_ =	swait.ge [sflag:s29], $0x2000  }
0x55: {  	[sflag:s29] =	ssyncset.done $0x0;
	s8 =	rddreg [dreg:$0x5]  }
0x56: {  	p0 =	sne.s32 s22, $0x0;
	[sflag:s29] =	ssyncadd.s32 $0xFFFFE000;
	s7 =	sadd.s32 s2, s8  }
0x57: {  	[hbm4b:s7+s3] =	stream.linear.scatter [tilespmem:s23], [sflag:$0x5], $0x2000, $0x38;
	[tilespmem:$0x1A400] =	vst v63  }
0x58: {  	s7 =	simm.s32 @p0 $0x6  }
0x59: {  	_ =	swait.ge @p0 [sflag:s7], $0x2000  }
0x5a: {  	[sflag:s7] =	ssyncset.done @p0 $0x0  }
0x5b: {  	[sflag:s7] =	ssyncadd.s32 @p0 $0xFFFFE000;
	s7 =	sshra.s32 @p0 s22, $0x2  }
0x5c: {  	s9 =	simm.s32 @p0 $0x80;
	s10 =	simm.s32 @p0 $0x10400;
	s8 =	sadd.s32 @p0 $0x280, s7  }
0x5d: {  	[tilespmem:s10], [sflag:$0x6] =	stream.indirect.gather @p0 [hbm4b:s5+s9], $0x40, s8, s9, $0xb8;
	[tilespmem:$0x1A400] =	vst v63  }
0x5e: {  	s8 =	simm.s32 @p0 $0x7  }
0x5f: {  	_ =	swait.ge @p0 [sflag:s8], $0x2000  }
0x60: {  	[sflag:s8] =	ssyncset.done @p0 $0x0  }
0x61: {  	s10 =	simm.s32 @p0 $0x12400;
	[sflag:s8] =	ssyncadd.s32 @p0 $0xFFFFE000;
	s8 =	sadd.s32 @p0 $0x300, s7  }
0x62: {  	[tilespmem:s10], [sflag:$0x7] =	stream.indirect.gather @p0 [hbm4b:s5+s9], $0x40, s8, s9, $0xb8;
	[tilespmem:$0x1A400] =	vst v63  }
0x63: {  	s8 =	simm.s32 @p0 $0x8  }
0x64: {  	_ =	swait.ge @p0 [sflag:s8], $0x2000  }
0x65: {  	[sflag:s8] =	ssyncset.done @p0 $0x0  }
0x66: {  	s10 =	simm.s32 @p0 $0x14400;
	[sflag:s8] =	ssyncadd.s32 @p0 $0xFFFFE000;
	s8 =	sadd.s32 @p0 $0x380, s7  }
0x67: {  	[tilespmem:s10], [sflag:$0x8] =	stream.indirect.gather @p0 [hbm4b:s5+s9], $0x40, s8, s9, $0xb8;
	[tilespmem:$0x1A400] =	vst v63  }
0x68: {  	s8 =	simm.s32 @p0 $0x9  }
0x69: {  	_ =	swait.ge @p0 [sflag:s8], $0x2000  }
0x6a: {  	[sflag:s8] =	ssyncset.done @p0 $0x0  }
0x6b: {  	s7 =	sadd.s32 @p0 $0x400, s7;
	[sflag:s8] =	ssyncadd.s32 @p0 $0xFFFFE000;
	s8 =	simm.s32 @p0 $0x16400  }
0x6c: {  	[tilespmem:s8], [sflag:$0x9] =	stream.indirect.gather @p0 [hbm4b:s5+s9], $0x40, s7, s9, $0xb8;
	[tilespmem:$0x1A400] =	vst v63  }
0x6d: {  	s7 =	simm.s32 @p0 $0xA  }
0x6e: {  	_ =	swait.ge @p0 [sflag:s7], $0x2000  }
0x6f: {  	s8 =	simm.s32 @!p0 $0x280;
	[sflag:s7] =	ssyncset.done @p0 $0x0  }
0x70: {  	s9 =	simm.s32 @!p0 $0x10400;
	[sflag:s7] =	ssyncadd.s32 @p0 $0xFFFFE000;
	s7 =	simm.s32 @!p0 $0x80  }
0x71: {  	[tilespmem:s9], [sflag:$0x6] =	stream.indirect.gather @!p0 [hbm4b:s5+s7], $0x40, s8, s7, $0xb8;
	[tilespmem:$0x1A400] =	vst v63  }
0x72: {  	s8 =	simm.s32 @!p0 $0x300;
	s9 =	simm.s32 @!p0 $0x12400  }
0x73: {  	[tilespmem:s9], [sflag:$0x7] =	stream.indirect.gather @!p0 [hbm4b:s5+s7], $0x40, s8, s7, $0xb8;
	[tilespmem:$0x1A400] =	vst v63  }
0x74: {  	s8 =	simm.s32 @!p0 $0x380;
	s9 =	simm.s32 @!p0 $0x14400  }
0x75: {  	[tilespmem:s9], [sflag:$0x8] =	stream.indirect.gather @!p0 [hbm4b:s5+s7], $0x40, s8, s7, $0xb8;
	[tilespmem:$0x1A400] =	vst v63  }
0x76: {  	s8 =	simm.s32 @!p0 $0x400;
	s9 =	simm.s32 @!p0 $0x16400  }
0x77: {  	[tilespmem:s9], [sflag:$0x9] =	stream.indirect.gather @!p0 [hbm4b:s5+s7], $0x40, s8, s7, $0xb8;
	[tilespmem:$0x1A400] =	vst v63  }
0x78: {  	s7 =	sshra.s32 s22, $0x2;
	s8 =	sadd.s32 @p0 $0xFFFFFE80, s1  }
0x79: {  	s9 =	sadd.s32 $0x480, s7;
	s8 =	simm.s32 @!p0 $0x280  }
0x7a: {  	[tilespmem:s30], [sflag:$0xA] =	stream.indirect.gather [hbm4b:s5+s15], $0x40, s9, s15, $0xb8;
	[tilespmem:$0x1A400] =	vst v63  }
0x7b: {  	s8 =	sadd.s32 s4, s8  }
0x7c: {  	_ =	swait.ge [sflag:s31], $0x2000;
	s8 =	sshll.u32 s8, $0x3  }
0x7d: {  	[sflag:s31] =	ssyncset.done $0x0;
	s8 =	sand.u32 $0x1FFFFC00, s8  }
0x7e: {  	s10 =	simm.s32 $0x10400;
	[sflag:s31] =	ssyncadd.s32 $0xFFFFE000;
	s8 =	sadd.s32 s18, s8  }
0x7f: {  	[hbm4b:s8+s3] =	stream.linear.scatter [tilespmem:s10], [sflag:$0x6], $0x2000, $0x38;
	[tilespmem:$0x1A400] =	vst v63  }
0x80: {  	s8 =	sadd.s32 @p0 $0xFFFFFF00, s1  }
0x81: {  	s8 =	simm.s32 @!p0 $0x300  }
0x82: {  	s8 =	sadd.s32 s4, s8  }
0x83: {  	_ =	swait.ge [sflag:s0], $0x2000;
	s8 =	sshll.u32 s8, $0x3  }
0x84: {  	[sflag:s0] =	ssyncset.done $0x0;
	s8 =	sand.u32 $0x1FFFF800, s8  }
0x85: {  	s10 =	simm.s32 $0x12400;
	[sflag:s0] =	ssyncadd.s32 $0xFFFFE000;
	s8 =	sadd.s32 s18, s8  }
0x86: {  	[hbm4b:s8+s3] =	stream.linear.scatter [tilespmem:s10], [sflag:$0x7], $0x2000, $0x38;
	[tilespmem:$0x1A400] =	vst v63  }
0x87: {  	s8 =	sadd.s32 @p0 $0xFFFFFF80, s1  }
0x88: {  	s8 =	simm.s32 @!p0 $0x380  }
0x89: {  	s8 =	sadd.s32 s4, s8  }
0x8a: {  	_ =	swait.ge [sflag:s20], $0x2000;
	s8 =	sshll.u32 s8, $0x3  }
0x8b: {  	[sflag:s20] =	ssyncset.done $0x0;
	s8 =	sand.u32 $0x1FFFFC00, s8  }
0x8c: {  	s10 =	simm.s32 $0x14400;
	[sflag:s20] =	ssyncadd.s32 $0xFFFFE000;
	s8 =	sadd.s32 s18, s8  }
0x8d: {  	[hbm4b:s8+s3] =	stream.linear.scatter [tilespmem:s10], [sflag:$0x8], $0x2000, $0x38;
	[tilespmem:$0x1A400] =	vst v63  }
0x8e: {  	s8 =	smov.u32 s1  }
0x8f: {  	s8 =	simm.s32 @!p0 $0x400  }
0x90: {  	s8 =	sadd.s32 s4, s8  }
0x91: {  	_ =	swait.ge [sflag:s6], $0x2000;
	s8 =	sshll.u32 s8, $0x3  }
0x92: {  	[sflag:s6] =	ssyncset.done $0x0;
	s8 =	sand.u32 $0x1FFFF800, s8  }
0x93: {  	s10 =	simm.s32 $0x16400;
	[sflag:s6] =	ssyncadd.s32 $0xFFFFE000;
	s8 =	sadd.s32 s18, s8  }
0x94: {  	[hbm4b:s8+s3] =	stream.linear.scatter [tilespmem:s10], [sflag:$0x9], $0x2000, $0x38;
	[tilespmem:$0x1A400] =	vst v63  }
0x95: {  	_ =	swait.ge [sflag:s14], $0x2000  }
0x96: {  	p0 =	seq.s32 s22, $0x17C00;
	[sflag:s14] =	ssyncset.done $0x0  }
.Ltmp2:
0x97: {  	s10 =	sadd.s32 s2, s12;
	[sflag:s14] =	ssyncadd.s32 $0xFFFFE000;
	(pc) =	sbr.rel @p0 .LBB2_4-.Ltmp2, $4  }
0x98: {  	[hbm4b:s10+s3] =	stream.linear.scatter [tilespmem:s30], [sflag:$0xA], $0x2000, $0x38;
	[tilespmem:$0x1A400] =	vst v63  }
0x99: {  	_ =	swait.ge [sflag:s24], $0x2000  }
0x9a: {  	[sflag:s24] =	ssyncset.done $0x0  }
0x9b: {  	[sflag:s24] =	ssyncadd.s32 $0xFFFFE000  }
0x9c: {  	s8 =	sadd.s32 $0x500, s7  }
0x9d: {  	[tilespmem:s16], [sflag:$0x1] =	stream.indirect.gather [hbm4b:s5+s15], $0x40, s8, s15, $0xb8;
	[tilespmem:$0x1A400] =	vst v63  }
0x9e: {  	_ =	swait.ge [sflag:s25], $0x2000  }
0x9f: {  	[sflag:s25] =	ssyncset.done $0x0  }
0xa0: {  	s9 =	sadd.s32 $0x580, s7;
	[sflag:s25] =	ssyncadd.s32 $0xFFFFE000  }
0xa1: {  	[tilespmem:s17], [sflag:$0x2] =	stream.indirect.gather [hbm4b:s5+s15], $0x40, s9, s15, $0xb8;
	[tilespmem:$0x1A400] =	vst v63  }
0xa2: {  	_ =	swait.ge [sflag:s26], $0x2000  }
0xa3: {  	[sflag:s26] =	ssyncset.done $0x0  }
0xa4: {  	s10 =	sadd.s32 $0x600, s7;
	[sflag:s26] =	ssyncadd.s32 $0xFFFFE000  }
0xa5: {  	[tilespmem:s19], [sflag:$0x3] =	stream.indirect.gather [hbm4b:s5+s15], $0x40, s10, s15, $0xb8;
	[tilespmem:$0x1A400] =	vst v63  }
0xa6: {  	_ =	swait.ge [sflag:s28], $0x2000  }
0xa7: {  	[sflag:s28] =	ssyncset.done $0x0  }
0xa8: {  	s9 =	sadd.s32 $0x680, s7;
	[sflag:s28] =	ssyncadd.s32 $0xFFFFE000  }
0xa9: {  	[tilespmem:s21], [sflag:$0x4] =	stream.indirect.gather [hbm4b:s5+s15], $0x40, s9, s15, $0xb8;
	[tilespmem:$0x1A400] =	vst v63  }
.Ltmp3:
0xaa: {  	_ = 	snop;
	(pc) =	sbr.rel .LBB2_2-.Ltmp3, $4  }
0xab: {  	_ =	swait.ge [sflag:s29], $0x2000  }
0xac: {  	s22 =	sadd.s32 $0x1400, s22;
	s2 =	sadd.s32 $0x2800, s2;
	[sflag:s29] =	ssyncset.done $0x0  }
0xad: {  	s1 =	sadd.s32 $0x500, s1;
	s10 =	sadd.s32 $0x700, s7;
	[sflag:s29] =	ssyncadd.s32 $0xFFFFE000  }
0xae: {  	[tilespmem:s23], [sflag:$0x5] =	stream.indirect.gather [hbm4b:s5+s15], $0x40, s10, s15, $0xb8;
	[tilespmem:$0x1A400] =	vst v63  }
.LBB2_5:
0xaf: {  	_ =	sfence.sel $0x180000  }
0xb0: {  	[bflag:$0x0] =	sbarrier.arrive $0xFFFF  }
0xb1: {  	_ =	strace $0x90000047  }
0xb2: {  	s0 =	stileid.u32;
	[bflag:$0x2] =	sbarrier.arrive $0xFFFF  }
0xb3: {  	p0 =	sne.s32 s0, $0x0;
	s0 =	rddreg [dreg:$0x2]  }
0xb4: {  	s0 =	sadd.s32 @!p0 $0x100000, s0  }
0xb5: {  	[sflag:s0] =	ssyncadd.tile.s32 @!p0 $0x1;
	_ =	shalt  }
.Lfunc_end2:
_tile_overlayer_lowered:
.L_overlay_start_2:
0xb6: {  	(tag) =	ssettag $0x2  }
0xb7: {  	s0 =	rddreg [dreg:$0x0];
	s2 =	stileid.u32  }
0xb8: {  	s1 =	rddreg [dreg:$0x1];
	p0 =	sne.s32 s2, $0x0  }
0xb9: {  	s3 =	rddreg [dreg:$0x2];
	[bflag:$0x3] =	sbarrier.arrive $0xFFFF;
	s2 =	simm.s32 @!p0 $0x1C0B  }
0xba: {  	[timem:s3], [sflag:s2] =	dma.local @!p0 [hbm:s0], s1  }
0xbb: {  	s0 =	simm.s32 @!p0 $0xB  }
0xbc: {  	_ =	swait.ge @!p0 [sflag:s0], s1  }
0xbd: {  	s1 =	ssub.s32 @!p0 $0x0, s1;
	[sflag:s0] =	ssyncset.done @!p0 $0x0  }
0xbe: {  	[sflag:s0] =	ssyncadd.s32 @!p0 s1  }
0xbf: {  	[bflag:$0x3] =	sbarrier.arrive $0xFFFF  }
0xc0: {  	_ =	shalt  }

// kernel: sparse-core-data-format-call.cloned.1.call-start
scs
called_computation_lowered:
.L_overlay_start_0:
0x0: {  	s2 =	sld [smem:$0x3FD9]  }
0x1: {  	s3 =	sld [smem:$0x3FFE];
	_ =	sdelay $0x1  }
0x2: {  	s1 =	srdreg.scid  }
0x3: {  	s0 =	sand.u32 $0x1, s1  }
0x4: {  	s18 =	sshll.u32 s0, $0xA;
	s2 =	sadd.s32 s3, s2  }
0x5: {  	s2 =	sadd.s32 s2, s18  }
0x6: {  	[smem:$0x3FC6] =	sst s2  }
0x7: {  	_ = 	snop  }
0x8: {  	s2 =	sld [smem:$0x3FD0];
	(tm) =	ssettm $0x1  }
0x9: {  	s19 =	sld [smem:$0x3FFB];
	_ =	sdelay $0x3  }
0xa: {  	_ =	strace s19  }
0xb: {  	s3 =	sld [smem:$0x3FFC];
	_ =	sdelay $0x3  }
0xc: {  	_ =	strace s3  }
0xd: {  	s3 =	sld [smem:$0x3FFD];
	_ =	sdelay $0x3  }
0xe: {  	_ =	strace s3  }
0xf: {  	_ =	strace $0x8FFFFFFF  }
0x10: {  	s20 =	sld [smem:$0x3FDB];
	_ =	sdelay $0x1  }
0x11: {  	s4 =	simm.s32 $_scs_section_size  }
0x12: {  	s5 =	simm.s32 $_size__tile_overlayer_lowered;
	s6 =	simm.s32 $_tile_overlayer_lowered  }
0x13: {  	s23 =	simm.s32 $0x1BFF;
	s22 =	sshll.u32 s6, $0x1;
	s3 =	sadd.s32 s4, s20  }
0x14: {  	s7 =	simm.s32 $0x0;
	s21 =	sshll.u32 s5, $0x1;
	s5 =	sadd.s32 s22, s3  }
0x15: {  	[timem:s7], [sflag:s23] =	dma.local [hbm:s5], s21  }
0x16: {  	_ =	swait.ge [sflag:s23], s21  }
0x17: {  	s4 =	ssub.s32 $0x0, s21;
	[sflag:s23] =	ssyncset.done $0x0  }
0x18: {  	[sflag:s23] =	ssyncadd.s32 s4;
	_ =	sdelay $0x1  }
0x19: {  	s24 =	simm.s32 $0x1B8B  }
0x1a: {  	_ =	swait.ge [sflag:s24], $0x1  }
0x1b: {  	[sflag:s24] =	ssyncset.done $0x0  }
0x1c: {  	s26 =	simm.s32 $0x1B8E;
	s25 =	sld [smem:$0x3FFE];
	[sflag:s24] =	ssyncadd.s32 $0xFFFFFFFF  }
0x1d: {  	s27 =	simm.s32 $execute0_lowered;
	[smem:$0x3FD2] =	sst s26  }
0x1e: {  	s5 =	sshll.u32 s27, $0x1;
	_ =	strace $0x80000049;
	[dreg:$0x1] =	wrdreg $0xFFFFFFFF  }
0x1f: {  	s28 =	simm.s32 $_size_execute0_lowered;
	s3 =	sadd.s32 s3, s5;
	[dreg:$0x0] =	wrdreg $0x0  }
0x20: {  	s5 =	sshll.u32 s28, $0x1;
	[dreg:$0x2] =	wrdreg s3  }
0x21: {  	[dreg:$0x3] =	wrdreg s5  }
0x22: {  	[dreg:$0x4] =	wrdreg $0xC0  }
0x23: {  	_ =	task [dreg:s7], $0x5FFFF  }
0x24: {  	[dreg:$0x1] =	wrdreg $0xFFFFFFFF  }
0x25: {  	[dreg:$0x0] =	wrdreg $0x60  }
0x26: {  	[dreg:$0x2] =	wrdreg s25  }
0x27: {  	[dreg:$0x3] =	wrdreg s2  }
0x28: {  	[dreg:$0x4] =	wrdreg $0x9  }
0x29: {  	_ =	task.clear_ibuf [dreg:s7], $0x5FFFF;
	_ =	strace $0x90000049  }
0x2a: {  	s29 =	simm.s32 $0x9;
	_ =	strace $0x8000004B  }
0x2b: {  	_ =	swait.ge [sflag:s29], $0x1  }
0x2c: {  	[sflag:s29] =	ssyncadd.s32 $0xFFFFFFFF  }
0x2d: {  	_ =	strace $0x9000004B  }
0x2e: {  	_ =	sfence  }
0x2f: {  	s30 =	sld [smem:$0x0];
	_ =	sdelay $0x2  }
0x30: {  	s31 =	sshll.u32 s1, $0xD;
	s1 =	sshrl.u32 s1, $0x2  }
0x31: {  	s3 =	sand.u32 $0x4000, s31;
	s1 =	sadd.s32 s1, s30  }
0x32: {  	s0 =	sor.u32 s3, s0;
	s1 =	sshll.u32 s1, $0x11  }
0x33: {  	s0 =	sor.u32 s1, s0  }
0x34: {  	s0 =	sadd.s32 $0x8F2B, s0  }
0x35: {  	[sflag:s0] =	ssyncadd.remote.s32 $0x1  }
0x36: {  	_ =	sfence.sel $0xFFFF  }
0x37: {  	[dreg:$0x0] =	wrdreg $0xFFFFFFFF;
	(pc) =	sbr.abs _section_cstart, $3  }
0x38: {  	[dreg:$0x1] =	wrdreg $0xFFFFFFFF  }
0x39: {  	_ =	task.clear_ibuf [dreg:s7], $0x2FFFF;
	_ =	strace $0x9FFFFFFF  }
0x3a: {  	(tm) =	ssettm $0x7FFFFFFF  }
0x3b: {  	_ =	shalt  }
tec
execute0_lowered:
.L_overlay_start_1:
0x0: {  	(tag) =	ssettag $0x1  }
0x1: {  	s0 =	srdreg.scid  }
0x2: {  	s1 =	sshll.u32 s0, $0x4  }
0x3: {  	s0 =	stileid.u32;
	s1 =	sand.u32 $0x10, s1  }
0x4: {  	s1 =	sor.u32 s0, s1  }
0x5: {  	s6 =	rddreg [dreg:$0x0];
	s4 =	simm.s32 $0x1;
	s2 =	sshll.u32 s1, $0x7  }
0x6: {  	s7 =	simm.s32 $0x2;
	s12 =	simm.s32 $0x0;
	s1 =	ssub.s32 $0x4000, s2  }
0x7: {  	s8 =	simm.s32 $0x20000;
	s13 =	simm.s32 $0x0;
	s3 =	sand.u32 $0xF80, s1  }
0x8: {  	s9 =	simm.s32 $0x0;
	s5 =	sshrl.u32 s1, $0xC;
	p0 =	sne.s32 s3, $0x0  }
.Ltmp0:
0x9: {  	s1 =	rddreg [dreg:$0x2];
	s4 =	simm.s32 @!p0 $0x0;
	(pc) =	sbr.rel .LBB1_1-.Ltmp0, $4  }
0xa: {  	s11 =	simm.s32 $0x0;
	s3 =	rddreg [dreg:$0x1];
	s5 =	sadd.s32 s4, s5  }
0xb: {  	_ =	strace $0x8000004A;
	s4 =	simm.s32 $0x1;
	s5 =	smul.u32 $0x32, s5  }
0xc: {  	s6 =	sadd.s32 $0xA00, s6;
	s10 =	smov.u32 s2;
	[sflag:s4] =	ssyncpa.u1 $0x0  }
0xd: {  	p0 =	por $0x0, $0x0;
	[sflag:s7] =	ssyncpa.u1 $0x0;
	s7 =	sor.u32 $0x1, s5  }
.LBB1_4:
0xe: {  	s16 =	sshll.u32 s13, $0x3;
	s17 =	sand.u32 $0x78, s13  }
0xf: {  	s30 =	sand.u32 $0x1F800, s13;
	s12 =	sshll.u32 s12, $0x11;
	s16 =	sand.u32 $0x3C00, s16  }
0x10: {  	[tilespmem:s15+$0x810 ss:$0x81] =	vst.msk $0xffff, v2;
	s31 =	sand.u32 $0x7, s13;
	s16 =	sor.u32 s17, s16;
	s17 =	sadd.s32 s3, s30  }
0x11: {  	[tilespmem:s15+$0x1020 ss:$0x81] =	vst.msk $0xffff, v0;
	s13 =	sshll.u32 s31, $0x12;
	s12 =	sadd.s32 s12, s17;
	s16 =	sshrl.u32 s16, $0x3  }
0x12: {  	[tilespmem:s15+$0x0 ss:$0x81] =	vst.msk $0xffff, v1;
	s13 =	sor.u32 $0x400, s13;
	s12 =	sadd.s32 s16, s12  }
0x13: {  	[hbm4b:s12+s13] =	stream.strided.scatter [tilespmem:s14], [sflag:$0x2], $0x2000, s8, s13, $0x20;
	[tilespmem:$0x8080] =	vst v63  }
.LBB1_5:
0x14: {  	s14 =	sadd.s32 $0x1, s9  }
0x15: {  	s12 =	sadd.s32 $0x1000, s10;
	s16 =	smov.u32 s10;
	p2 =	sgt.s32 s14, $0x31  }
0x16: {  	s16 =	smov.u32 @p2 s12  }
0x17: {  	s14 =	simm.s32 @p2 $0x0;
	p2 =	sgt.s32 s16, $0x3FFF  }
0x18: {  	s16 =	smov.u32 @p2 s2;
	p2 =	sne.s32 s11, s7  }
.Ltmp1:
0x19: {  	p1 =	slt.u32 s11, $0x2;
	(pc) =	sbr.rel @!p2 .LBB1_6-.Ltmp1, $4  }
0x1a: {  	s15 =	simm.s32 @!p1 $0x2  }
0x1b: {  	s13 =	smov.u32 s10;
	p0 =	por !p0, !p0;
	_ =	swait.ge @!p1 [sflag:s15], $0x2000  }
0x1c: {  	s12 =	smov.u32 s9;
	[sflag:s15] =	ssyncset.done @!p1 $0x0;
	s9 =	smov.u32 s14  }
0x1d: {  	s11 =	sadd.s32 $0x1, s11;
	[sflag:s15] =	ssyncadd.s32 @!p1 $0xFFFFE000;
	s10 =	smov.u32 s16  }
.LBB1_1:
0x1e: {  	p1 =	sge.u32 s11, s5  }
0x1f: {  	s14 =	sand.u32 @!p1 $0x1FFFFFF, s9  }
0x20: {  	s15 =	smulhi.u32 @!p1 $0x4924925, s14;
	_ =	sdelay $0x1  }
0x21: {  	s15 =	smul.u32 @!p1 $0x38, s15  }
0x22: {  	s16 =	sxor.u32 @!p1 $0xFFFFFFFF, s11;
	s17 =	smul.u32 @!p1 $0x380, s10  }
0x23: {  	s31 =	sadd.s32 $0xFFFFFFFF, s11;
	s16 =	sshll.u32 @!p1 s16, $0xD;
	s14 =	ssub.s32 @!p1 s14, s15  }
0x24: {  	s15 =	sand.u32 @!p1 $0x2000, s16;
	s16 =	sadd.s32 @!p1 s6, s17;
	s14 =	sshll.u32 @!p1 s14, $0x4  }
0x25: {  	s17 =	simm.s32 @!p1 $0x1C00;
	s14 =	sadd.s32 @!p1 s14, s16;
	s16 =	simm.s32 @!p1 $0x40  }
0x26: {  	[tilespmem:s15], [sflag:$0x1] =	stream.strided.gather @!p1 [hbm4b:s14+s16], $0x2000, s17, s16, $0x38;
	[tilespmem:$0x8080] =	vst v63  }
0x27: {  	p1 =	sge.u32 s31, s5  }
.Ltmp2:
0x28: {  	_ = 	snop;
	(pc) =	sbr.rel @p1 .LBB1_5-.Ltmp2, $1  }
0x29: {  	_ =	sdelay $0x3  }
0x2a: {  	s14 =	simm.s32 $0x1  }
0x2b: {  	_ =	swait.ge [sflag:s4], $0x2000;
	s14 =	simm.s32 @!p0 $0x0  }
0x2c: {  	[sflag:s4] =	ssyncset.done $0x0;
	s15 =	sshll.u32 s14, $0xD  }
0x2d: {  	[sflag:s4] =	ssyncadd.s32 $0xFFFFE000;
	s18 =	sor.u32 $0x20, s15  }
0x2e: {  	s14 =	smul.u32 $0x8100, s14;
	v3 =	vld [tilespmem:s18+$0x10]  }
0x2f: {  	s30 =	sand.u32 $0x1, s11;
	v2 =	vld [tilespmem:s18+$0xFFFFFFF0]  }
0x30: {  	s15 =	smul.u32 $0x8100, s30;
	s14 =	sshrl.u32 s14, $0x2;
	v0 =	vld [tilespmem:s18+$0x0]  }
0x31: {  	v1 =	vld [tilespmem:s18+$0xFFFFFFE0];
	s16 =	sor.u32 $0x4000, s14  }
0x32: {  	s31 =	sshrl.u32 s15, $0x2;
	s15 =	sadd.s32 $0x0, s16  }
0x33: {  	s17 =	simm.s32 $0x4;
	s18 =	sadd.s32 $0x40, s18;
	s14 =	sor.u32 $0x4000, s31;
	[tilespmem:s15+$0x1830 ss:$0x81] =	vst.msk $0xffff, v3  }
.LBB1_3:
0x34: {  	v3 =	vld [tilespmem:s18+$0x10];
	p1 =	sne.s32 s17, $0x1FC;
	[tilespmem:s15+$0x810 ss:$0x81] =	vst.msk $0xffff, v2;
	s19 =	smov.u32 s17;
	s17 =	sadd.s32 $0x4, s17  }
.Ltmp3:
0x35: {  	v2 =	vld [tilespmem:s18+$0xFFFFFFF0];
	[tilespmem:s15+$0x1020 ss:$0x81] =	vst.msk $0xffff, v0;
	(pc) =	sbr.rel @p1 .LBB1_3-.Ltmp3, $4  }
0x36: {  	v0 =	vld [tilespmem:s18+$0x0];
	[tilespmem:s15+$0x0 ss:$0x81] =	vst.msk $0xffff, v1  }
0x37: {  	s15 =	sshra.s32 s19, $0x2;
	v1 =	vld [tilespmem:s18+$0xFFFFFFE0]  }
0x38: {  	s15 =	sadd.s32 s15, s16  }
0x39: {  	s18 =	sadd.s32 $0x40, s18;
	[tilespmem:s15+$0x1830 ss:$0x81] =	vst.msk $0xffff, v3  }
.Ltmp4:
0x3a: {  	_ = 	snop;
	(pc) =	sbr.rel .LBB1_4-.Ltmp4, $1  }
0x3b: {  	_ =	sdelay $0x3  }
.LBB1_6:
0x3c: {  	_ =	sfence.sel $0x180000  }
0x3d: {  	s2 =	simm.s32 $0x1;
	[bflag:$0x0] =	sbarrier.arrive $0xFFFF  }
0x3e: {  	s31 =	simm.s32 $0x2;
	[sflag:s2] =	ssyncpa.u1 $0x1  }
0x3f: {  	[sflag:s31] =	ssyncpa.u1 $0x1  }
0x40: {  	p0 =	sne.s32 s0, $0x0;
	_ =	strace $0x9000004A  }
0x41: {  	s0 =	sadd.s32 @!p0 $0x100000, s1;
	[bflag:$0x2] =	sbarrier.arrive $0xFFFF  }
0x42: {  	[sflag:s0] =	ssyncadd.tile.s32 @!p0 $0x1;
	_ =	shalt  }
.Lfunc_end1:
_tile_overlayer_lowered:
.L_overlay_start_2:
0x43: {  	(tag) =	ssettag $0x2  }
0x44: {  	s0 =	rddreg [dreg:$0x0];
	s2 =	stileid.u32  }
0x45: {  	s1 =	rddreg [dreg:$0x1];
	p0 =	sne.s32 s2, $0x0  }
0x46: {  	s3 =	rddreg [dreg:$0x2];
	[bflag:$0x3] =	sbarrier.arrive $0xFFFF;
	s2 =	simm.s32 @!p0 $0x1C01  }
0x47: {  	[timem:s3], [sflag:s2] =	dma.local @!p0 [hbm:s0], s1  }
0x48: {  	s0 =	simm.s32 @!p0 $0x1  }
0x49: {  	_ =	swait.ge @!p0 [sflag:s0], s1  }
0x4a: {  	s1 =	ssub.s32 @!p0 $0x0, s1;
	[sflag:s0] =	ssyncset.done @!p0 $0x0  }
0x4b: {  	[sflag:s0] =	ssyncadd.s32 @!p0 s1  }
0x4c: {  	[bflag:$0x3] =	sbarrier.arrive $0xFFFF  }
0x4d: {  	_ =	shalt  }

</sc_bundles>
